<compile_context>
chip_gen: v7x
topology: tpu7x:2x2x1
jax: 0.10.2.dev20260603
libtpu: 0.0.44.dev20260713+nightly
codegen_flags: <defaults>
</compile_context>

<pallas_src>
import jax
import jax.numpy as jnp
from jax import lax
from jax.experimental import pallas as pl
from jax.experimental.pallas import tpu as pltpu
from jax.experimental.pallas import tpu_sc as plsc

N_NODES = 10000
N_EDGES = 320000
D = 128

NC = 2
NS = 16
NW = NC * NS
EPW = N_EDGES // NW
K = 125
NCH = EPW // K
PARTS = 2
NCH_P = NCH // PARTS
RPT = 624
R_REM = N_NODES - NS * RPT

BR = 2000



def _lin1_body(x_ref, w_ref, b_ref, o_ref):
    o_ref[...] = (
        jnp.dot(x_ref[...], w_ref[...], preferred_element_type=jnp.float32)
        + b_ref[...]
    )


def _lin2_body(p_ref, w_ref, b_ref, o_ref):
    h = jnp.maximum(p_ref[0] + p_ref[1], 0.0)
    o_ref[...] = (
        jnp.dot(h, w_ref[...], preferred_element_type=jnp.float32) + b_ref[...]
    )


def _lsm_body(p_ref, o_ref):
    z = p_ref[0] + p_ref[1]
    m = jnp.max(z, axis=-1, keepdims=True)
    e = jnp.exp(z - m)
    s = jnp.sum(e, axis=-1, keepdims=True)
    o_ref[...] = z - m - jnp.log(s)


def _lin1(x, w1t, b1):
    return pl.pallas_call(
        _lin1_body,
        grid=(N_NODES // BR,),
        in_specs=[
            pl.BlockSpec((BR, D), lambda i: (i, 0)),
            pl.BlockSpec((D, D), lambda i: (0, 0)),
            pl.BlockSpec((1, D), lambda i: (0, 0)),
        ],
        out_specs=pl.BlockSpec((BR, D), lambda i: (i, 0)),
        out_shape=jax.ShapeDtypeStruct((N_NODES, D), jnp.float32),
    )(x, w1t, b1.reshape(1, D))


def _lin2(p, w2t, b2):
    return pl.pallas_call(
        _lin2_body,
        grid=(N_NODES // BR,),
        in_specs=[
            pl.BlockSpec((NC, BR, D), lambda i: (0, i, 0)),
            pl.BlockSpec((D, D), lambda i: (0, 0)),
            pl.BlockSpec((1, D), lambda i: (0, 0)),
        ],
        out_specs=pl.BlockSpec((BR, D), lambda i: (i, 0)),
        out_shape=jax.ShapeDtypeStruct((N_NODES, D), jnp.float32),
    )(p, w2t, b2.reshape(1, D))


def _log_softmax(p):
    return pl.pallas_call(
        _lsm_body,
        grid=(N_NODES // BR,),
        in_specs=[pl.BlockSpec((NC, BR, D), lambda i: (0, i, 0))],
        out_specs=pl.BlockSpec((BR, D), lambda i: (i, 0)),
        out_shape=jax.ShapeDtypeStruct((N_NODES, D), jnp.float32),
    )(p)



def _spmm_body(h_hbm, row_hbm, col_hbm, zeros_hbm, out_hbm,
               col_v, row_v, bufs, gsems, ssems, accum):
    c = lax.axis_index("c")
    s = lax.axis_index("s")
    w = c * NS + s

    pltpu.sync_copy(col_hbm.at[w, 0], col_v)
    pltpu.sync_copy(row_hbm.at[w, 0], row_v)
    pltpu.async_copy(h_hbm.at[col_v.at[0]], bufs[0], gsems[0])
    pltpu.async_copy(h_hbm.at[col_v.at[1]], bufs[1], gsems[1])

    pltpu.sync_copy(
        zeros_hbm.at[pl.ds(s * RPT, RPT)],
        accum.at[pl.ds(s * RPT, RPT)],
    )

    @pl.when(s == NS - 1)
    def _zero_rem():
        pltpu.sync_copy(
            zeros_hbm.at[pl.ds(NS * RPT, R_REM)],
            accum.at[pl.ds(NS * RPT, R_REM)],
        )

    plsc.subcore_barrier()

    for part in range(PARTS):
        if part > 0:
            pltpu.sync_copy(col_hbm.at[w, part], col_v)
            pltpu.sync_copy(row_hbm.at[w, part], row_v)

            pltpu.async_copy(h_hbm.at[col_v.at[0]], bufs[0], gsems[0])
            pltpu.async_copy(h_hbm.at[col_v.at[1]], bufs[1], gsems[1])

        @pl.loop(0, NCH_P, step=2)
        def _chunk(j):
            for p in range(2):
                ch = j + p
                pltpu.make_async_copy(
                    h_hbm.at[col_v.at[ch]], bufs[p], gsems[p]
                ).wait()
                pltpu.sync_copy(bufs[p], accum.at[row_v.at[ch]], add=True)

                @pl.when(ch + 2 < NCH_P)
                def _refill():
                    pltpu.async_copy(
                        h_hbm.at[col_v.at[ch + 2]], bufs[p], gsems[p]
                    )

    plsc.subcore_barrier()
    pltpu.sync_copy(
        accum.at[pl.ds(s * RPT, RPT)],
        out_hbm.at[c, pl.ds(s * RPT, RPT)],
    )

    @pl.when(s == NS - 1)
    def _wb_rem():
        pltpu.sync_copy(
            accum.at[pl.ds(NS * RPT, R_REM)],
            out_hbm.at[c, pl.ds(NS * RPT, R_REM)],
        )


_spmm = pl.kernel(
    _spmm_body,
    out_type=jax.ShapeDtypeStruct((NC, N_NODES, D), jnp.float32),
    mesh=plsc.VectorSubcoreMesh(
        core_axis_name="c", subcore_axis_name="s", num_cores=NC, num_subcores=NS
    ),
    scratch_types=[
        pltpu.VMEM((NCH_P, K), jnp.int32),
        pltpu.VMEM((NCH_P, K), jnp.int32),
        [pltpu.VMEM((K, D), jnp.float32) for _ in range(2)],
        [pltpu.SemaphoreType.DMA for _ in range(2)],
        [pltpu.SemaphoreType.DMA for _ in range(2)],
        pltpu.VMEM_SHARED((N_NODES, D), jnp.float32),
    ],
)


def kernel(x, edge_index, W1, b1, W2, b2):
    row = edge_index[0].astype(jnp.int32).reshape(NW, PARTS, NCH_P, K)
    col = edge_index[1].astype(jnp.int32).reshape(NW, PARTS, NCH_P, K)
    zeros = jnp.zeros((N_NODES, D), jnp.float32)

    h = _lin1(x, W1.T, b1)
    p1 = _spmm(h, row, col, zeros)
    h2 = _lin2(p1, W2.T, b2)
    p2 = _spmm(h2, row, col, zeros)
    return _log_softmax(p2)

# --- scband reference (transcript-rebuilt; emitter-appended) ---
"""Pipeline reference for scband-gcn2-50096498540829 (READ-ONLY COPY).

The authoritative reference and input builder live on the scoring server;
editing this copy changes nothing except your own understanding.
"""

import jax, jax.numpy as jnp
import numpy as np

N_NODES = 10000
N_EDGES = 320000
D_IN = 128
D_HID = 128
D_OUT = 128


def setup_inputs(seed: int = 0) -> dict:
    key = jax.random.key(seed)
    k_x, k_ei, k_w1, k_b1, k_w2, k_b2 = jax.random.split(key, 6)
    x = jax.random.normal(k_x, (N_NODES, D_IN), dtype=jnp.float32)
    edge_index = jax.random.randint(k_ei, (2, N_EDGES), 0, N_NODES, dtype=jnp.int64)
    s1 = 1.0 / np.sqrt(D_IN)
    s2 = 1.0 / np.sqrt(D_HID)
    W1 = jax.random.uniform(k_w1, (D_HID, D_IN), minval=-s1, maxval=s1, dtype=jnp.float32)
    b1 = jax.random.uniform(k_b1, (D_HID,), minval=-s1, maxval=s1, dtype=jnp.float32)
    W2 = jax.random.uniform(k_w2, (D_OUT, D_HID), minval=-s2, maxval=s2, dtype=jnp.float32)
    b2 = jax.random.uniform(k_b2, (D_OUT,), minval=-s2, maxval=s2, dtype=jnp.float32)
    return {"x": x, "edge_index": edge_index, "W1": W1, "b1": b1, "W2": W2, "b2": b2}


def _spmm_sum(edge_index, h, num_nodes):
    # adj is a binary SparseTensor with nonzeros at (row, col); spmm_sum(adj, h)[i] = sum_{j: (i,j) in E} h[j]
    row = edge_index[0]
    col = edge_index[1]
    return jax.ops.segment_sum(jnp.take(h, col, axis=0), row, num_segments=num_nodes)


def reference(x, edge_index, W1, b1, W2, b2):
    n = x.shape[0]
    h = x @ W1.T + b1              # lin1
    h = _spmm_sum(edge_index, h, n)  # spmm_sum(adj, x)
    h = jax.nn.relu(h)
    h = h @ W2.T + b2              # lin2
    h = _spmm_sum(edge_index, h, n)  # spmm_sum(adj, x)
    return jax.nn.log_softmax(h, axis=-1)

if __name__ == "__main__":
    import jax
    _d = setup_inputs()
    print(jax.jit(kernel)(*tuple(_d.values())))

</pallas_src>

<mosaic_0001>
#map = affine_map<(d0, d1) -> (0, 0)>
#map1 = affine_map<(d0, d1) -> (0, 0, 0, 0)>
#map2 = affine_map<(d0, d1) -> (0, 0, 0)>
module attributes {stable_mosaic.version = 14 : i64} {
  func.func @_spmm_body(%arg0: i32, %arg1: i32, %arg2: memref<10000x128xf32, #tpu.memory_space<hbm>>, %arg3: memref<32x2x40x125xi32, #tpu.memory_space<hbm>>, %arg4: memref<32x2x40x125xi32, #tpu.memory_space<hbm>>, %arg5: memref<10000x128xf32, #tpu.memory_space<hbm>>, %arg6: memref<2x10000x128xf32, #tpu.memory_space<hbm>>, %arg7: memref<40x125xi32, #tpu.memory_space<vmem>>, %arg8: memref<40x125xi32, #tpu.memory_space<vmem>>, %arg9: memref<125x128xf32, #tpu.memory_space<vmem>>, %arg10: memref<125x128xf32, #tpu.memory_space<vmem>>, %arg11: memref<!tpu.dma_semaphore, #tpu.memory_space<semaphore_mem>>, %arg12: memref<!tpu.dma_semaphore, #tpu.memory_space<semaphore_mem>>, %arg13: memref<!tpu.dma_semaphore, #tpu.memory_space<semaphore_mem>>, %arg14: memref<!tpu.dma_semaphore, #tpu.memory_space<semaphore_mem>>, %arg15: memref<10000x128xf32, #tpu.memory_space<vmem_shared>>) attributes {dimension_semantics = [#tpu.dimension_semantics<core_parallel>, #tpu.dimension_semantics<subcore_parallel>], iteration_bounds = array<i64: 2, 16>, scalar_prefetch = 0 : i64, scratch_operands = 9 : i64, tpu.core_type = #tpu.core_type<sc_vector_subcore>, window_params = [{transform_indices = #map}, {transform_indices = #map1}, {transform_indices = #map1}, {transform_indices = #map}, {transform_indices = #map2}]} {
    %mul3A = arith.constant 16 : i32
    %mul3A_0 = arith.muli %arg0, %mul3A : i32
    %add3A = arith.addi %mul3A_0, %arg1 : i32
    %run_scoped3A = arith.constant 0 : i32
    "tpu.region"() ({
      %run_scoped3A_56 = tpu.sem_alloc : memref<!tpu.dma_semaphore, #tpu.memory_space<semaphore_mem>>
      %dma_start3A_57 = arith.constant 0 : i32
      %dma_start3A_58 = arith.constant 0 : i32
      %dma_start3A_59 = tpu.memref_slice %arg4[%add3A, %run_scoped3A, %dma_start3A_57, %dma_start3A_58] : memref<32x2x40x125xi32, #tpu.memory_space<hbm>> -> memref<1x1x40x125xi32, #tpu.memory_space<hbm>>
      %dma_start3A_60 = tpu.memref_squeeze %dma_start3A_59 : memref<1x1x40x125xi32, #tpu.memory_space<hbm>> -> memref<40x125xi32, #tpu.memory_space<hbm>>
      %dma_start3A_61 = arith.constant 0 : i32
      %dma_start3A_62 = arith.constant 0 : i32
      %dma_start3A_63 = tpu.memref_slice %arg4[%add3A, %run_scoped3A, %dma_start3A_61, %dma_start3A_62] : memref<32x2x40x125xi32, #tpu.memory_space<hbm>> -> memref<1x1x40x125xi32, #tpu.memory_space<hbm>>
      %dma_start3A_64 = tpu.memref_squeeze %dma_start3A_63 : memref<1x1x40x125xi32, #tpu.memory_space<hbm>> -> memref<40x125xi32, #tpu.memory_space<hbm>>
      tpu.enqueue_dma source(%dma_start3A_64 : memref<40x125xi32, #tpu.memory_space<hbm>>) target(%arg7 : memref<40x125xi32, #tpu.memory_space<vmem>>) target_semaphore(%run_scoped3A_56 : memref<!tpu.dma_semaphore, #tpu.memory_space<semaphore_mem>>)
      %dma_wait3A = arith.constant 0 : i32
      %dma_wait3A_65 = arith.constant 0 : i32
      %dma_wait3A_66 = tpu.memref_slice %arg4[%add3A, %run_scoped3A, %dma_wait3A, %dma_wait3A_65] : memref<32x2x40x125xi32, #tpu.memory_space<hbm>> -> memref<1x1x40x125xi32, #tpu.memory_space<hbm>>
      %dma_wait3A_67 = tpu.memref_squeeze %dma_wait3A_66 : memref<1x1x40x125xi32, #tpu.memory_space<hbm>> -> memref<40x125xi32, #tpu.memory_space<hbm>>
      %dma_wait3A_68 = arith.constant 0 : i32
      %dma_wait3A_69 = arith.constant 0 : i32
      %dma_wait3A_70 = tpu.memref_slice %arg4[%add3A, %run_scoped3A, %dma_wait3A_68, %dma_wait3A_69] : memref<32x2x40x125xi32, #tpu.memory_space<hbm>> -> memref<1x1x40x125xi32, #tpu.memory_space<hbm>>
      %dma_wait3A_71 = tpu.memref_squeeze %dma_wait3A_70 : memref<1x1x40x125xi32, #tpu.memory_space<hbm>> -> memref<40x125xi32, #tpu.memory_space<hbm>>
      tpu.wait_dma2 semaphore(%run_scoped3A_56 : memref<!tpu.dma_semaphore, #tpu.memory_space<semaphore_mem>>) src(%dma_wait3A_71 : memref<40x125xi32, #tpu.memory_space<hbm>>) dst(%arg7 : memref<40x125xi32, #tpu.memory_space<vmem>>)
      tpu.yield
    }) : () -> ()
    %run_scoped3A_1 = arith.constant 0 : i32
    "tpu.region"() ({
      %run_scoped3A_56 = tpu.sem_alloc : memref<!tpu.dma_semaphore, #tpu.memory_space<semaphore_mem>>
      %dma_start3A_57 = arith.constant 0 : i32
      %dma_start3A_58 = arith.constant 0 : i32
      %dma_start3A_59 = tpu.memref_slice %arg3[%add3A, %run_scoped3A_1, %dma_start3A_57, %dma_start3A_58] : memref<32x2x40x125xi32, #tpu.memory_space<hbm>> -> memref<1x1x40x125xi32, #tpu.memory_space<hbm>>
      %dma_start3A_60 = tpu.memref_squeeze %dma_start3A_59 : memref<1x1x40x125xi32, #tpu.memory_space<hbm>> -> memref<40x125xi32, #tpu.memory_space<hbm>>
      %dma_start3A_61 = arith.constant 0 : i32
      %dma_start3A_62 = arith.constant 0 : i32
      %dma_start3A_63 = tpu.memref_slice %arg3[%add3A, %run_scoped3A_1, %dma_start3A_61, %dma_start3A_62] : memref<32x2x40x125xi32, #tpu.memory_space<hbm>> -> memref<1x1x40x125xi32, #tpu.memory_space<hbm>>
      %dma_start3A_64 = tpu.memref_squeeze %dma_start3A_63 : memref<1x1x40x125xi32, #tpu.memory_space<hbm>> -> memref<40x125xi32, #tpu.memory_space<hbm>>
      tpu.enqueue_dma source(%dma_start3A_64 : memref<40x125xi32, #tpu.memory_space<hbm>>) target(%arg8 : memref<40x125xi32, #tpu.memory_space<vmem>>) target_semaphore(%run_scoped3A_56 : memref<!tpu.dma_semaphore, #tpu.memory_space<semaphore_mem>>)
      %dma_wait3A = arith.constant 0 : i32
      %dma_wait3A_65 = arith.constant 0 : i32
      %dma_wait3A_66 = tpu.memref_slice %arg3[%add3A, %run_scoped3A_1, %dma_wait3A, %dma_wait3A_65] : memref<32x2x40x125xi32, #tpu.memory_space<hbm>> -> memref<1x1x40x125xi32, #tpu.memory_space<hbm>>
      %dma_wait3A_67 = tpu.memref_squeeze %dma_wait3A_66 : memref<1x1x40x125xi32, #tpu.memory_space<hbm>> -> memref<40x125xi32, #tpu.memory_space<hbm>>
      %dma_wait3A_68 = arith.constant 0 : i32
      %dma_wait3A_69 = arith.constant 0 : i32
      %dma_wait3A_70 = tpu.memref_slice %arg3[%add3A, %run_scoped3A_1, %dma_wait3A_68, %dma_wait3A_69] : memref<32x2x40x125xi32, #tpu.memory_space<hbm>> -> memref<1x1x40x125xi32, #tpu.memory_space<hbm>>
      %dma_wait3A_71 = tpu.memref_squeeze %dma_wait3A_70 : memref<1x1x40x125xi32, #tpu.memory_space<hbm>> -> memref<40x125xi32, #tpu.memory_space<hbm>>
      tpu.wait_dma2 semaphore(%run_scoped3A_56 : memref<!tpu.dma_semaphore, #tpu.memory_space<semaphore_mem>>) src(%dma_wait3A_71 : memref<40x125xi32, #tpu.memory_space<hbm>>) dst(%arg8 : memref<40x125xi32, #tpu.memory_space<vmem>>)
      tpu.yield
    }) : () -> ()
    %dma_start3A = arith.constant 0 : i32
    %dma_start3A_2 = arith.constant 0 : i32
    %dma_start3A_3 = tpu.memref_slice %arg7[%dma_start3A, %dma_start3A_2] : memref<40x125xi32, #tpu.memory_space<vmem>> -> memref<1x125xi32, #tpu.memory_space<vmem>>
    %dma_start3A_4 = tpu.memref_squeeze %dma_start3A_3 : memref<1x125xi32, #tpu.memory_space<vmem>> -> memref<125xi32, #tpu.memory_space<vmem>>
    %dma_start3A_5 = arith.constant 0 : i32
    %dma_start3A_6 = arith.constant 0 : i32
    %dma_start3A_7 = tpu.memref_slice %arg2[%dma_start3A_5, %dma_start3A_6] : memref<10000x128xf32, #tpu.memory_space<hbm>> -> memref<10000x128xf32, #tpu.memory_space<hbm>>
    tpu.enqueue_indirect_dma source(%dma_start3A_7 : memref<10000x128xf32, #tpu.memory_space<hbm>>) target(%arg9 : memref<125x128xf32, #tpu.memory_space<vmem>>) offsets(%dma_start3A_4 : memref<125xi32, #tpu.memory_space<vmem>>) semaphore(%arg11 : memref<!tpu.dma_semaphore, #tpu.memory_space<semaphore_mem>>)
    %dma_start3A_8 = arith.constant 1 : i32
    %dma_start3A_9 = arith.constant 0 : i32
    %dma_start3A_10 = tpu.memref_slice %arg7[%dma_start3A_8, %dma_start3A_9] : memref<40x125xi32, #tpu.memory_space<vmem>> -> memref<1x125xi32, #tpu.memory_space<vmem>>
    %dma_start3A_11 = tpu.memref_squeeze %dma_start3A_10 : memref<1x125xi32, #tpu.memory_space<vmem>> -> memref<125xi32, #tpu.memory_space<vmem>>
    %dma_start3A_12 = arith.constant 0 : i32
    %dma_start3A_13 = arith.constant 0 : i32
    %dma_start3A_14 = tpu.memref_slice %arg2[%dma_start3A_12, %dma_start3A_13] : memref<10000x128xf32, #tpu.memory_space<hbm>> -> memref<10000x128xf32, #tpu.memory_space<hbm>>
    tpu.enqueue_indirect_dma source(%dma_start3A_14 : memref<10000x128xf32, #tpu.memory_space<hbm>>) target(%arg10 : memref<125x128xf32, #tpu.memory_space<vmem>>) offsets(%dma_start3A_11 : memref<125xi32, #tpu.memory_space<vmem>>) semaphore(%arg12 : memref<!tpu.dma_semaphore, #tpu.memory_space<semaphore_mem>>)
    %mul3A_15 = arith.constant 624 : i32
    %mul3A_16 = arith.muli %arg1, %mul3A_15 : i32
    %mul3A_17 = arith.constant 624 : i32
    %mul3A_18 = arith.muli %arg1, %mul3A_17 : i32
    "tpu.region"() ({
      %run_scoped3A_56 = tpu.sem_alloc : memref<!tpu.dma_semaphore, #tpu.memory_space<semaphore_mem>>
      %dma_start3A_57 = arith.constant 0 : i32
      %dma_start3A_58 = tpu.memref_slice %arg15[%mul3A_18, %dma_start3A_57] : memref<10000x128xf32, #tpu.memory_space<vmem_shared>> -> memref<624x128xf32, #tpu.memory_space<vmem_shared>>
      %dma_start3A_59 = arith.constant 0 : i32
      %dma_start3A_60 = tpu.memref_slice %arg5[%mul3A_16, %dma_start3A_59] : memref<10000x128xf32, #tpu.memory_space<hbm>> -> memref<624x128xf32, #tpu.memory_space<hbm>>
      tpu.enqueue_dma source(%dma_start3A_60 : memref<624x128xf32, #tpu.memory_space<hbm>>) target(%dma_start3A_58 : memref<624x128xf32, #tpu.memory_space<vmem_shared>>) target_semaphore(%run_scoped3A_56 : memref<!tpu.dma_semaphore, #tpu.memory_space<semaphore_mem>>)
      %dma_wait3A = arith.constant 0 : i32
      %dma_wait3A_61 = tpu.memref_slice %arg15[%mul3A_18, %dma_wait3A] : memref<10000x128xf32, #tpu.memory_space<vmem_shared>> -> memref<624x128xf32, #tpu.memory_space<vmem_shared>>
      %dma_wait3A_62 = arith.constant 0 : i32
      %dma_wait3A_63 = tpu.memref_slice %arg5[%mul3A_16, %dma_wait3A_62] : memref<10000x128xf32, #tpu.memory_space<hbm>> -> memref<624x128xf32, #tpu.memory_space<hbm>>
      tpu.wait_dma2 semaphore(%run_scoped3A_56 : memref<!tpu.dma_semaphore, #tpu.memory_space<semaphore_mem>>) src(%dma_wait3A_63 : memref<624x128xf32, #tpu.memory_space<hbm>>) dst(%dma_wait3A_61 : memref<624x128xf32, #tpu.memory_space<vmem_shared>>)
      tpu.yield
    }) : () -> ()
    %eq3A = arith.constant 15 : i32
    %eq3A_19 = arith.cmpi eq, %arg1, %eq3A : i32
    %convert_element_type3A = arith.extui %eq3A_19 : i1 to i32
    %cond3A = arith.constant 0 : i32
    %cond3A_20 = arith.cmpi ne, %convert_element_type3A, %cond3A : i32
    scf.if %cond3A_20 {
      "tpu.region"() ({
        %run_scoped3A_56 = tpu.sem_alloc : memref<!tpu.dma_semaphore, #tpu.memory_space<semaphore_mem>>
        %dma_start3A_57 = arith.constant 9984 : i32
        %dma_start3A_58 = arith.constant 0 : i32
        %dma_start3A_59 = tpu.memref_slice %arg15[%dma_start3A_57, %dma_start3A_58] : memref<10000x128xf32, #tpu.memory_space<vmem_shared>> -> memref<16x128xf32, #tpu.memory_space<vmem_shared>>
        %dma_start3A_60 = arith.constant 9984 : i32
        %dma_start3A_61 = arith.constant 0 : i32
        %dma_start3A_62 = tpu.memref_slice %arg5[%dma_start3A_60, %dma_start3A_61] : memref<10000x128xf32, #tpu.memory_space<hbm>> -> memref<16x128xf32, #tpu.memory_space<hbm>>
        tpu.enqueue_dma source(%dma_start3A_62 : memref<16x128xf32, #tpu.memory_space<hbm>>) target(%dma_start3A_59 : memref<16x128xf32, #tpu.memory_space<vmem_shared>>) target_semaphore(%run_scoped3A_56 : memref<!tpu.dma_semaphore, #tpu.memory_space<semaphore_mem>>)
        %dma_wait3A = arith.constant 9984 : i32
        %dma_wait3A_63 = arith.constant 0 : i32
        %dma_wait3A_64 = tpu.memref_slice %arg15[%dma_wait3A, %dma_wait3A_63] : memref<10000x128xf32, #tpu.memory_space<vmem_shared>> -> memref<16x128xf32, #tpu.memory_space<vmem_shared>>
        %dma_wait3A_65 = arith.constant 9984 : i32
        %dma_wait3A_66 = arith.constant 0 : i32
        %dma_wait3A_67 = tpu.memref_slice %arg5[%dma_wait3A_65, %dma_wait3A_66] : memref<10000x128xf32, #tpu.memory_space<hbm>> -> memref<16x128xf32, #tpu.memory_space<hbm>>
        tpu.wait_dma2 semaphore(%run_scoped3A_56 : memref<!tpu.dma_semaphore, #tpu.memory_space<semaphore_mem>>) src(%dma_wait3A_67 : memref<16x128xf32, #tpu.memory_space<hbm>>) dst(%dma_wait3A_64 : memref<16x128xf32, #tpu.memory_space<vmem_shared>>)
        tpu.yield
      }) : () -> ()
    } else {
    }
    %barrier3A = arith.constant 0 : index
    tpu.barrier barrier_id(%barrier3A)
    %scan3A = arith.constant 0 : i32
    %scan3A_21 = arith.constant 20 : i32
    %scan3A_22 = arith.addi %scan3A, %scan3A_21 : i32
    %scan3A_23 = arith.constant 1 : i32
    scf.for %scan3A_56 = %scan3A to %scan3A_22 step %scan3A_23  : i32 {
      %mul3A_57 = arith.constant 2 : i32
      %mul3A_58 = arith.muli %scan3A_56, %mul3A_57 : i32
      %add3A_59 = arith.constant 0 : i32
      %add3A_60 = arith.addi %add3A_59, %mul3A_58 : i32
      %add3A_61 = arith.constant 0 : i32
      %add3A_62 = arith.addi %add3A_60, %add3A_61 : i32
      %dma_wait3A = arith.constant 0 : i32
      %dma_wait3A_63 = tpu.memref_slice %arg7[%add3A_62, %dma_wait3A] : memref<40x125xi32, #tpu.memory_space<vmem>> -> memref<1x125xi32, #tpu.memory_space<vmem>>
      %dma_wait3A_64 = tpu.memref_squeeze %dma_wait3A_63 : memref<1x125xi32, #tpu.memory_space<vmem>> -> memref<125xi32, #tpu.memory_space<vmem>>
      %dma_wait3A_65 = arith.constant 0 : i32
      %dma_wait3A_66 = arith.constant 0 : i32
      %dma_wait3A_67 = tpu.memref_slice %arg2[%dma_wait3A_65, %dma_wait3A_66] : memref<10000x128xf32, #tpu.memory_space<hbm>> -> memref<10000x128xf32, #tpu.memory_space<hbm>>
      tpu.wait_indirect_dma semaphore(%arg11 : memref<!tpu.dma_semaphore, #tpu.memory_space<semaphore_mem>>) src(%dma_wait3A_67 : memref<10000x128xf32, #tpu.memory_space<hbm>>) dst(%arg9 : memref<125x128xf32, #tpu.memory_space<vmem>>)
      "tpu.region"() ({
        %run_scoped3A_89 = tpu.sem_alloc : memref<!tpu.dma_semaphore, #tpu.memory_space<semaphore_mem>>
        %dma_start3A_90 = arith.constant 0 : i32
        %dma_start3A_91 = tpu.memref_slice %arg8[%add3A_62, %dma_start3A_90] : memref<40x125xi32, #tpu.memory_space<vmem>> -> memref<1x125xi32, #tpu.memory_space<vmem>>
        %dma_start3A_92 = tpu.memref_squeeze %dma_start3A_91 : memref<1x125xi32, #tpu.memory_space<vmem>> -> memref<125xi32, #tpu.memory_space<vmem>>
        %dma_start3A_93 = arith.constant 0 : i32
        %dma_start3A_94 = arith.constant 0 : i32
        %dma_start3A_95 = tpu.memref_slice %arg15[%dma_start3A_93, %dma_start3A_94] : memref<10000x128xf32, #tpu.memory_space<vmem_shared>> -> memref<10000x128xf32, #tpu.memory_space<vmem_shared>>
        tpu.enqueue_indirect_dma source(%arg9 : memref<125x128xf32, #tpu.memory_space<vmem>>) target(%dma_start3A_95 : memref<10000x128xf32, #tpu.memory_space<vmem_shared>>) offsets(%dma_start3A_92 : memref<125xi32, #tpu.memory_space<vmem>>) semaphore(%run_scoped3A_89 : memref<!tpu.dma_semaphore, #tpu.memory_space<semaphore_mem>>) {add = true}
        %dma_wait3A_96 = arith.constant 0 : i32
        %dma_wait3A_97 = tpu.memref_slice %arg8[%add3A_62, %dma_wait3A_96] : memref<40x125xi32, #tpu.memory_space<vmem>> -> memref<1x125xi32, #tpu.memory_space<vmem>>
        %dma_wait3A_98 = tpu.memref_squeeze %dma_wait3A_97 : memref<1x125xi32, #tpu.memory_space<vmem>> -> memref<125xi32, #tpu.memory_space<vmem>>
        %dma_wait3A_99 = arith.constant 0 : i32
        %dma_wait3A_100 = arith.constant 0 : i32
        %dma_wait3A_101 = tpu.memref_slice %arg15[%dma_wait3A_99, %dma_wait3A_100] : memref<10000x128xf32, #tpu.memory_space<vmem_shared>> -> memref<10000x128xf32, #tpu.memory_space<vmem_shared>>
        tpu.wait_indirect_dma semaphore(%run_scoped3A_89 : memref<!tpu.dma_semaphore, #tpu.memory_space<semaphore_mem>>) src(%arg9 : memref<125x128xf32, #tpu.memory_space<vmem>>) dst(%dma_wait3A_101 : memref<10000x128xf32, #tpu.memory_space<vmem_shared>>)
        tpu.yield
      }) : () -> ()
      %add3A_68 = arith.constant 2 : i32
      %add3A_69 = arith.addi %add3A_62, %add3A_68 : i32
      %lt3A = arith.constant 40 : i32
      %lt3A_70 = arith.cmpi slt, %add3A_69, %lt3A : i32
      %convert_element_type3A_71 = arith.extui %lt3A_70 : i1 to i32
      %cond3A_72 = arith.constant 0 : i32
      %cond3A_73 = arith.cmpi ne, %convert_element_type3A_71, %cond3A_72 : i32
      scf.if %cond3A_73 {
        %add3A_89 = arith.constant 2 : i32
        %add3A_90 = arith.addi %add3A_62, %add3A_89 : i32
        %dma_start3A_91 = arith.constant 0 : i32
        %dma_start3A_92 = tpu.memref_slice %arg7[%add3A_90, %dma_start3A_91] : memref<40x125xi32, #tpu.memory_space<vmem>> -> memref<1x125xi32, #tpu.memory_space<vmem>>
        %dma_start3A_93 = tpu.memref_squeeze %dma_start3A_92 : memref<1x125xi32, #tpu.memory_space<vmem>> -> memref<125xi32, #tpu.memory_space<vmem>>
        %dma_start3A_94 = arith.constant 0 : i32
        %dma_start3A_95 = arith.constant 0 : i32
        %dma_start3A_96 = tpu.memref_slice %arg2[%dma_start3A_94, %dma_start3A_95] : memref<10000x128xf32, #tpu.memory_space<hbm>> -> memref<10000x128xf32, #tpu.memory_space<hbm>>
        tpu.enqueue_indirect_dma source(%dma_start3A_96 : memref<10000x128xf32, #tpu.memory_space<hbm>>) target(%arg9 : memref<125x128xf32, #tpu.memory_space<vmem>>) offsets(%dma_start3A_93 : memref<125xi32, #tpu.memory_space<vmem>>) semaphore(%arg11 : memref<!tpu.dma_semaphore, #tpu.memory_space<semaphore_mem>>)
      } else {
      }
      %add3A_74 = arith.constant 1 : i32
      %add3A_75 = arith.addi %add3A_60, %add3A_74 : i32
      %dma_wait3A_76 = arith.constant 0 : i32
      %dma_wait3A_77 = tpu.memref_slice %arg7[%add3A_75, %dma_wait3A_76] : memref<40x125xi32, #tpu.memory_space<vmem>> -> memref<1x125xi32, #tpu.memory_space<vmem>>
      %dma_wait3A_78 = tpu.memref_squeeze %dma_wait3A_77 : memref<1x125xi32, #tpu.memory_space<vmem>> -> memref<125xi32, #tpu.memory_space<vmem>>
      %dma_wait3A_79 = arith.constant 0 : i32
      %dma_wait3A_80 = arith.constant 0 : i32
      %dma_wait3A_81 = tpu.memref_slice %arg2[%dma_wait3A_79, %dma_wait3A_80] : memref<10000x128xf32, #tpu.memory_space<hbm>> -> memref<10000x128xf32, #tpu.memory_space<hbm>>
      tpu.wait_indirect_dma semaphore(%arg12 : memref<!tpu.dma_semaphore, #tpu.memory_space<semaphore_mem>>) src(%dma_wait3A_81 : memref<10000x128xf32, #tpu.memory_space<hbm>>) dst(%arg10 : memref<125x128xf32, #tpu.memory_space<vmem>>)
      "tpu.region"() ({
        %run_scoped3A_89 = tpu.sem_alloc : memref<!tpu.dma_semaphore, #tpu.memory_space<semaphore_mem>>
        %dma_start3A_90 = arith.constant 0 : i32
        %dma_start3A_91 = tpu.memref_slice %arg8[%add3A_75, %dma_start3A_90] : memref<40x125xi32, #tpu.memory_space<vmem>> -> memref<1x125xi32, #tpu.memory_space<vmem>>
        %dma_start3A_92 = tpu.memref_squeeze %dma_start3A_91 : memref<1x125xi32, #tpu.memory_space<vmem>> -> memref<125xi32, #tpu.memory_space<vmem>>
        %dma_start3A_93 = arith.constant 0 : i32
        %dma_start3A_94 = arith.constant 0 : i32
        %dma_start3A_95 = tpu.memref_slice %arg15[%dma_start3A_93, %dma_start3A_94] : memref<10000x128xf32, #tpu.memory_space<vmem_shared>> -> memref<10000x128xf32, #tpu.memory_space<vmem_shared>>
        tpu.enqueue_indirect_dma source(%arg10 : memref<125x128xf32, #tpu.memory_space<vmem>>) target(%dma_start3A_95 : memref<10000x128xf32, #tpu.memory_space<vmem_shared>>) offsets(%dma_start3A_92 : memref<125xi32, #tpu.memory_space<vmem>>) semaphore(%run_scoped3A_89 : memref<!tpu.dma_semaphore, #tpu.memory_space<semaphore_mem>>) {add = true}
        %dma_wait3A_96 = arith.constant 0 : i32
        %dma_wait3A_97 = tpu.memref_slice %arg8[%add3A_75, %dma_wait3A_96] : memref<40x125xi32, #tpu.memory_space<vmem>> -> memref<1x125xi32, #tpu.memory_space<vmem>>
        %dma_wait3A_98 = tpu.memref_squeeze %dma_wait3A_97 : memref<1x125xi32, #tpu.memory_space<vmem>> -> memref<125xi32, #tpu.memory_space<vmem>>
        %dma_wait3A_99 = arith.constant 0 : i32
        %dma_wait3A_100 = arith.constant 0 : i32
        %dma_wait3A_101 = tpu.memref_slice %arg15[%dma_wait3A_99, %dma_wait3A_100] : memref<10000x128xf32, #tpu.memory_space<vmem_shared>> -> memref<10000x128xf32, #tpu.memory_space<vmem_shared>>
        tpu.wait_indirect_dma semaphore(%run_scoped3A_89 : memref<!tpu.dma_semaphore, #tpu.memory_space<semaphore_mem>>) src(%arg10 : memref<125x128xf32, #tpu.memory_space<vmem>>) dst(%dma_wait3A_101 : memref<10000x128xf32, #tpu.memory_space<vmem_shared>>)
        tpu.yield
      }) : () -> ()
      %add3A_82 = arith.constant 2 : i32
      %add3A_83 = arith.addi %add3A_75, %add3A_82 : i32
      %lt3A_84 = arith.constant 40 : i32
      %lt3A_85 = arith.cmpi slt, %add3A_83, %lt3A_84 : i32
      %convert_element_type3A_86 = arith.extui %lt3A_85 : i1 to i32
      %cond3A_87 = arith.constant 0 : i32
      %cond3A_88 = arith.cmpi ne, %convert_element_type3A_86, %cond3A_87 : i32
      scf.if %cond3A_88 {
        %add3A_89 = arith.constant 2 : i32
        %add3A_90 = arith.addi %add3A_75, %add3A_89 : i32
        %dma_start3A_91 = arith.constant 0 : i32
        %dma_start3A_92 = tpu.memref_slice %arg7[%add3A_90, %dma_start3A_91] : memref<40x125xi32, #tpu.memory_space<vmem>> -> memref<1x125xi32, #tpu.memory_space<vmem>>
        %dma_start3A_93 = tpu.memref_squeeze %dma_start3A_92 : memref<1x125xi32, #tpu.memory_space<vmem>> -> memref<125xi32, #tpu.memory_space<vmem>>
        %dma_start3A_94 = arith.constant 0 : i32
        %dma_start3A_95 = arith.constant 0 : i32
        %dma_start3A_96 = tpu.memref_slice %arg2[%dma_start3A_94, %dma_start3A_95] : memref<10000x128xf32, #tpu.memory_space<hbm>> -> memref<10000x128xf32, #tpu.memory_space<hbm>>
        tpu.enqueue_indirect_dma source(%dma_start3A_96 : memref<10000x128xf32, #tpu.memory_space<hbm>>) target(%arg10 : memref<125x128xf32, #tpu.memory_space<vmem>>) offsets(%dma_start3A_93 : memref<125xi32, #tpu.memory_space<vmem>>) semaphore(%arg12 : memref<!tpu.dma_semaphore, #tpu.memory_space<semaphore_mem>>)
      } else {
      }
    }
    %scan3A_24 = arith.constant 20 : i32
    %run_scoped3A_25 = arith.constant 1 : i32
    "tpu.region"() ({
      %run_scoped3A_56 = tpu.sem_alloc : memref<!tpu.dma_semaphore, #tpu.memory_space<semaphore_mem>>
      %dma_start3A_57 = arith.constant 0 : i32
      %dma_start3A_58 = arith.constant 0 : i32
      %dma_start3A_59 = tpu.memref_slice %arg4[%add3A, %run_scoped3A_25, %dma_start3A_57, %dma_start3A_58] : memref<32x2x40x125xi32, #tpu.memory_space<hbm>> -> memref<1x1x40x125xi32, #tpu.memory_space<hbm>>
      %dma_start3A_60 = tpu.memref_squeeze %dma_start3A_59 : memref<1x1x40x125xi32, #tpu.memory_space<hbm>> -> memref<40x125xi32, #tpu.memory_space<hbm>>
      %dma_start3A_61 = arith.constant 0 : i32
      %dma_start3A_62 = arith.constant 0 : i32
      %dma_start3A_63 = tpu.memref_slice %arg4[%add3A, %run_scoped3A_25, %dma_start3A_61, %dma_start3A_62] : memref<32x2x40x125xi32, #tpu.memory_space<hbm>> -> memref<1x1x40x125xi32, #tpu.memory_space<hbm>>
      %dma_start3A_64 = tpu.memref_squeeze %dma_start3A_63 : memref<1x1x40x125xi32, #tpu.memory_space<hbm>> -> memref<40x125xi32, #tpu.memory_space<hbm>>
      tpu.enqueue_dma source(%dma_start3A_64 : memref<40x125xi32, #tpu.memory_space<hbm>>) target(%arg7 : memref<40x125xi32, #tpu.memory_space<vmem>>) target_semaphore(%run_scoped3A_56 : memref<!tpu.dma_semaphore, #tpu.memory_space<semaphore_mem>>)
      %dma_wait3A = arith.constant 0 : i32
      %dma_wait3A_65 = arith.constant 0 : i32
      %dma_wait3A_66 = tpu.memref_slice %arg4[%add3A, %run_scoped3A_25, %dma_wait3A, %dma_wait3A_65] : memref<32x2x40x125xi32, #tpu.memory_space<hbm>> -> memref<1x1x40x125xi32, #tpu.memory_space<hbm>>
      %dma_wait3A_67 = tpu.memref_squeeze %dma_wait3A_66 : memref<1x1x40x125xi32, #tpu.memory_space<hbm>> -> memref<40x125xi32, #tpu.memory_space<hbm>>
      %dma_wait3A_68 = arith.constant 0 : i32
      %dma_wait3A_69 = arith.constant 0 : i32
      %dma_wait3A_70 = tpu.memref_slice %arg4[%add3A, %run_scoped3A_25, %dma_wait3A_68, %dma_wait3A_69] : memref<32x2x40x125xi32, #tpu.memory_space<hbm>> -> memref<1x1x40x125xi32, #tpu.memory_space<hbm>>
      %dma_wait3A_71 = tpu.memref_squeeze %dma_wait3A_70 : memref<1x1x40x125xi32, #tpu.memory_space<hbm>> -> memref<40x125xi32, #tpu.memory_space<hbm>>
      tpu.wait_dma2 semaphore(%run_scoped3A_56 : memref<!tpu.dma_semaphore, #tpu.memory_space<semaphore_mem>>) src(%dma_wait3A_71 : memref<40x125xi32, #tpu.memory_space<hbm>>) dst(%arg7 : memref<40x125xi32, #tpu.memory_space<vmem>>)
      tpu.yield
    }) : () -> ()
    %run_scoped3A_26 = arith.constant 1 : i32
    "tpu.region"() ({
      %run_scoped3A_56 = tpu.sem_alloc : memref<!tpu.dma_semaphore, #tpu.memory_space<semaphore_mem>>
      %dma_start3A_57 = arith.constant 0 : i32
      %dma_start3A_58 = arith.constant 0 : i32
      %dma_start3A_59 = tpu.memref_slice %arg3[%add3A, %run_scoped3A_26, %dma_start3A_57, %dma_start3A_58] : memref<32x2x40x125xi32, #tpu.memory_space<hbm>> -> memref<1x1x40x125xi32, #tpu.memory_space<hbm>>
      %dma_start3A_60 = tpu.memref_squeeze %dma_start3A_59 : memref<1x1x40x125xi32, #tpu.memory_space<hbm>> -> memref<40x125xi32, #tpu.memory_space<hbm>>
      %dma_start3A_61 = arith.constant 0 : i32
      %dma_start3A_62 = arith.constant 0 : i32
      %dma_start3A_63 = tpu.memref_slice %arg3[%add3A, %run_scoped3A_26, %dma_start3A_61, %dma_start3A_62] : memref<32x2x40x125xi32, #tpu.memory_space<hbm>> -> memref<1x1x40x125xi32, #tpu.memory_space<hbm>>
      %dma_start3A_64 = tpu.memref_squeeze %dma_start3A_63 : memref<1x1x40x125xi32, #tpu.memory_space<hbm>> -> memref<40x125xi32, #tpu.memory_space<hbm>>
      tpu.enqueue_dma source(%dma_start3A_64 : memref<40x125xi32, #tpu.memory_space<hbm>>) target(%arg8 : memref<40x125xi32, #tpu.memory_space<vmem>>) target_semaphore(%run_scoped3A_56 : memref<!tpu.dma_semaphore, #tpu.memory_space<semaphore_mem>>)
      %dma_wait3A = arith.constant 0 : i32
      %dma_wait3A_65 = arith.constant 0 : i32
      %dma_wait3A_66 = tpu.memref_slice %arg3[%add3A, %run_scoped3A_26, %dma_wait3A, %dma_wait3A_65] : memref<32x2x40x125xi32, #tpu.memory_space<hbm>> -> memref<1x1x40x125xi32, #tpu.memory_space<hbm>>
      %dma_wait3A_67 = tpu.memref_squeeze %dma_wait3A_66 : memref<1x1x40x125xi32, #tpu.memory_space<hbm>> -> memref<40x125xi32, #tpu.memory_space<hbm>>
      %dma_wait3A_68 = arith.constant 0 : i32
      %dma_wait3A_69 = arith.constant 0 : i32
      %dma_wait3A_70 = tpu.memref_slice %arg3[%add3A, %run_scoped3A_26, %dma_wait3A_68, %dma_wait3A_69] : memref<32x2x40x125xi32, #tpu.memory_space<hbm>> -> memref<1x1x40x125xi32, #tpu.memory_space<hbm>>
      %dma_wait3A_71 = tpu.memref_squeeze %dma_wait3A_70 : memref<1x1x40x125xi32, #tpu.memory_space<hbm>> -> memref<40x125xi32, #tpu.memory_space<hbm>>
      tpu.wait_dma2 semaphore(%run_scoped3A_56 : memref<!tpu.dma_semaphore, #tpu.memory_space<semaphore_mem>>) src(%dma_wait3A_71 : memref<40x125xi32, #tpu.memory_space<hbm>>) dst(%arg8 : memref<40x125xi32, #tpu.memory_space<vmem>>)
      tpu.yield
    }) : () -> ()
    %dma_start3A_27 = arith.constant 0 : i32
    %dma_start3A_28 = arith.constant 0 : i32
    %dma_start3A_29 = tpu.memref_slice %arg7[%dma_start3A_27, %dma_start3A_28] : memref<40x125xi32, #tpu.memory_space<vmem>> -> memref<1x125xi32, #tpu.memory_space<vmem>>
    %dma_start3A_30 = tpu.memref_squeeze %dma_start3A_29 : memref<1x125xi32, #tpu.memory_space<vmem>> -> memref<125xi32, #tpu.memory_space<vmem>>
    %dma_start3A_31 = arith.constant 0 : i32
    %dma_start3A_32 = arith.constant 0 : i32
    %dma_start3A_33 = tpu.memref_slice %arg2[%dma_start3A_31, %dma_start3A_32] : memref<10000x128xf32, #tpu.memory_space<hbm>> -> memref<10000x128xf32, #tpu.memory_space<hbm>>
    tpu.enqueue_indirect_dma source(%dma_start3A_33 : memref<10000x128xf32, #tpu.memory_space<hbm>>) target(%arg9 : memref<125x128xf32, #tpu.memory_space<vmem>>) offsets(%dma_start3A_30 : memref<125xi32, #tpu.memory_space<vmem>>) semaphore(%arg11 : memref<!tpu.dma_semaphore, #tpu.memory_space<semaphore_mem>>)
    %dma_start3A_34 = arith.constant 1 : i32
    %dma_start3A_35 = arith.constant 0 : i32
    %dma_start3A_36 = tpu.memref_slice %arg7[%dma_start3A_34, %dma_start3A_35] : memref<40x125xi32, #tpu.memory_space<vmem>> -> memref<1x125xi32, #tpu.memory_space<vmem>>
    %dma_start3A_37 = tpu.memref_squeeze %dma_start3A_36 : memref<1x125xi32, #tpu.memory_space<vmem>> -> memref<125xi32, #tpu.memory_space<vmem>>
    %dma_start3A_38 = arith.constant 0 : i32
    %dma_start3A_39 = arith.constant 0 : i32
    %dma_start3A_40 = tpu.memref_slice %arg2[%dma_start3A_38, %dma_start3A_39] : memref<10000x128xf32, #tpu.memory_space<hbm>> -> memref<10000x128xf32, #tpu.memory_space<hbm>>
    tpu.enqueue_indirect_dma source(%dma_start3A_40 : memref<10000x128xf32, #tpu.memory_space<hbm>>) target(%arg10 : memref<125x128xf32, #tpu.memory_space<vmem>>) offsets(%dma_start3A_37 : memref<125xi32, #tpu.memory_space<vmem>>) semaphore(%arg12 : memref<!tpu.dma_semaphore, #tpu.memory_space<semaphore_mem>>)
    %scan3A_41 = arith.constant 0 : i32
    %scan3A_42 = arith.constant 20 : i32
    %scan3A_43 = arith.addi %scan3A_41, %scan3A_42 : i32
    %scan3A_44 = arith.constant 1 : i32
    scf.for %scan3A_56 = %scan3A_41 to %scan3A_43 step %scan3A_44  : i32 {
      %mul3A_57 = arith.constant 2 : i32
      %mul3A_58 = arith.muli %scan3A_56, %mul3A_57 : i32
      %add3A_59 = arith.constant 0 : i32
      %add3A_60 = arith.addi %add3A_59, %mul3A_58 : i32
      %add3A_61 = arith.constant 0 : i32
      %add3A_62 = arith.addi %add3A_60, %add3A_61 : i32
      %dma_wait3A = arith.constant 0 : i32
      %dma_wait3A_63 = tpu.memref_slice %arg7[%add3A_62, %dma_wait3A] : memref<40x125xi32, #tpu.memory_space<vmem>> -> memref<1x125xi32, #tpu.memory_space<vmem>>
      %dma_wait3A_64 = tpu.memref_squeeze %dma_wait3A_63 : memref<1x125xi32, #tpu.memory_space<vmem>> -> memref<125xi32, #tpu.memory_space<vmem>>
      %dma_wait3A_65 = arith.constant 0 : i32
      %dma_wait3A_66 = arith.constant 0 : i32
      %dma_wait3A_67 = tpu.memref_slice %arg2[%dma_wait3A_65, %dma_wait3A_66] : memref<10000x128xf32, #tpu.memory_space<hbm>> -> memref<10000x128xf32, #tpu.memory_space<hbm>>
      tpu.wait_indirect_dma semaphore(%arg11 : memref<!tpu.dma_semaphore, #tpu.memory_space<semaphore_mem>>) src(%dma_wait3A_67 : memref<10000x128xf32, #tpu.memory_space<hbm>>) dst(%arg9 : memref<125x128xf32, #tpu.memory_space<vmem>>)
      "tpu.region"() ({
        %run_scoped3A_89 = tpu.sem_alloc : memref<!tpu.dma_semaphore, #tpu.memory_space<semaphore_mem>>
        %dma_start3A_90 = arith.constant 0 : i32
        %dma_start3A_91 = tpu.memref_slice %arg8[%add3A_62, %dma_start3A_90] : memref<40x125xi32, #tpu.memory_space<vmem>> -> memref<1x125xi32, #tpu.memory_space<vmem>>
        %dma_start3A_92 = tpu.memref_squeeze %dma_start3A_91 : memref<1x125xi32, #tpu.memory_space<vmem>> -> memref<125xi32, #tpu.memory_space<vmem>>
        %dma_start3A_93 = arith.constant 0 : i32
        %dma_start3A_94 = arith.constant 0 : i32
        %dma_start3A_95 = tpu.memref_slice %arg15[%dma_start3A_93, %dma_start3A_94] : memref<10000x128xf32, #tpu.memory_space<vmem_shared>> -> memref<10000x128xf32, #tpu.memory_space<vmem_shared>>
        tpu.enqueue_indirect_dma source(%arg9 : memref<125x128xf32, #tpu.memory_space<vmem>>) target(%dma_start3A_95 : memref<10000x128xf32, #tpu.memory_space<vmem_shared>>) offsets(%dma_start3A_92 : memref<125xi32, #tpu.memory_space<vmem>>) semaphore(%run_scoped3A_89 : memref<!tpu.dma_semaphore, #tpu.memory_space<semaphore_mem>>) {add = true}
        %dma_wait3A_96 = arith.constant 0 : i32
        %dma_wait3A_97 = tpu.memref_slice %arg8[%add3A_62, %dma_wait3A_96] : memref<40x125xi32, #tpu.memory_space<vmem>> -> memref<1x125xi32, #tpu.memory_space<vmem>>
        %dma_wait3A_98 = tpu.memref_squeeze %dma_wait3A_97 : memref<1x125xi32, #tpu.memory_space<vmem>> -> memref<125xi32, #tpu.memory_space<vmem>>
        %dma_wait3A_99 = arith.constant 0 : i32
        %dma_wait3A_100 = arith.constant 0 : i32
        %dma_wait3A_101 = tpu.memref_slice %arg15[%dma_wait3A_99, %dma_wait3A_100] : memref<10000x128xf32, #tpu.memory_space<vmem_shared>> -> memref<10000x128xf32, #tpu.memory_space<vmem_shared>>
        tpu.wait_indirect_dma semaphore(%run_scoped3A_89 : memref<!tpu.dma_semaphore, #tpu.memory_space<semaphore_mem>>) src(%arg9 : memref<125x128xf32, #tpu.memory_space<vmem>>) dst(%dma_wait3A_101 : memref<10000x128xf32, #tpu.memory_space<vmem_shared>>)
        tpu.yield
      }) : () -> ()
      %add3A_68 = arith.constant 2 : i32
      %add3A_69 = arith.addi %add3A_62, %add3A_68 : i32
      %lt3A = arith.constant 40 : i32
      %lt3A_70 = arith.cmpi slt, %add3A_69, %lt3A : i32
      %convert_element_type3A_71 = arith.extui %lt3A_70 : i1 to i32
      %cond3A_72 = arith.constant 0 : i32
      %cond3A_73 = arith.cmpi ne, %convert_element_type3A_71, %cond3A_72 : i32
      scf.if %cond3A_73 {
        %add3A_89 = arith.constant 2 : i32
        %add3A_90 = arith.addi %add3A_62, %add3A_89 : i32
        %dma_start3A_91 = arith.constant 0 : i32
        %dma_start3A_92 = tpu.memref_slice %arg7[%add3A_90, %dma_start3A_91] : memref<40x125xi32, #tpu.memory_space<vmem>> -> memref<1x125xi32, #tpu.memory_space<vmem>>
        %dma_start3A_93 = tpu.memref_squeeze %dma_start3A_92 : memref<1x125xi32, #tpu.memory_space<vmem>> -> memref<125xi32, #tpu.memory_space<vmem>>
        %dma_start3A_94 = arith.constant 0 : i32
        %dma_start3A_95 = arith.constant 0 : i32
        %dma_start3A_96 = tpu.memref_slice %arg2[%dma_start3A_94, %dma_start3A_95] : memref<10000x128xf32, #tpu.memory_space<hbm>> -> memref<10000x128xf32, #tpu.memory_space<hbm>>
        tpu.enqueue_indirect_dma source(%dma_start3A_96 : memref<10000x128xf32, #tpu.memory_space<hbm>>) target(%arg9 : memref<125x128xf32, #tpu.memory_space<vmem>>) offsets(%dma_start3A_93 : memref<125xi32, #tpu.memory_space<vmem>>) semaphore(%arg11 : memref<!tpu.dma_semaphore, #tpu.memory_space<semaphore_mem>>)
      } else {
      }
      %add3A_74 = arith.constant 1 : i32
      %add3A_75 = arith.addi %add3A_60, %add3A_74 : i32
      %dma_wait3A_76 = arith.constant 0 : i32
      %dma_wait3A_77 = tpu.memref_slice %arg7[%add3A_75, %dma_wait3A_76] : memref<40x125xi32, #tpu.memory_space<vmem>> -> memref<1x125xi32, #tpu.memory_space<vmem>>
      %dma_wait3A_78 = tpu.memref_squeeze %dma_wait3A_77 : memref<1x125xi32, #tpu.memory_space<vmem>> -> memref<125xi32, #tpu.memory_space<vmem>>
      %dma_wait3A_79 = arith.constant 0 : i32
      %dma_wait3A_80 = arith.constant 0 : i32
      %dma_wait3A_81 = tpu.memref_slice %arg2[%dma_wait3A_79, %dma_wait3A_80] : memref<10000x128xf32, #tpu.memory_space<hbm>> -> memref<10000x128xf32, #tpu.memory_space<hbm>>
      tpu.wait_indirect_dma semaphore(%arg12 : memref<!tpu.dma_semaphore, #tpu.memory_space<semaphore_mem>>) src(%dma_wait3A_81 : memref<10000x128xf32, #tpu.memory_space<hbm>>) dst(%arg10 : memref<125x128xf32, #tpu.memory_space<vmem>>)
      "tpu.region"() ({
        %run_scoped3A_89 = tpu.sem_alloc : memref<!tpu.dma_semaphore, #tpu.memory_space<semaphore_mem>>
        %dma_start3A_90 = arith.constant 0 : i32
        %dma_start3A_91 = tpu.memref_slice %arg8[%add3A_75, %dma_start3A_90] : memref<40x125xi32, #tpu.memory_space<vmem>> -> memref<1x125xi32, #tpu.memory_space<vmem>>
        %dma_start3A_92 = tpu.memref_squeeze %dma_start3A_91 : memref<1x125xi32, #tpu.memory_space<vmem>> -> memref<125xi32, #tpu.memory_space<vmem>>
        %dma_start3A_93 = arith.constant 0 : i32
        %dma_start3A_94 = arith.constant 0 : i32
        %dma_start3A_95 = tpu.memref_slice %arg15[%dma_start3A_93, %dma_start3A_94] : memref<10000x128xf32, #tpu.memory_space<vmem_shared>> -> memref<10000x128xf32, #tpu.memory_space<vmem_shared>>
        tpu.enqueue_indirect_dma source(%arg10 : memref<125x128xf32, #tpu.memory_space<vmem>>) target(%dma_start3A_95 : memref<10000x128xf32, #tpu.memory_space<vmem_shared>>) offsets(%dma_start3A_92 : memref<125xi32, #tpu.memory_space<vmem>>) semaphore(%run_scoped3A_89 : memref<!tpu.dma_semaphore, #tpu.memory_space<semaphore_mem>>) {add = true}
        %dma_wait3A_96 = arith.constant 0 : i32
        %dma_wait3A_97 = tpu.memref_slice %arg8[%add3A_75, %dma_wait3A_96] : memref<40x125xi32, #tpu.memory_space<vmem>> -> memref<1x125xi32, #tpu.memory_space<vmem>>
        %dma_wait3A_98 = tpu.memref_squeeze %dma_wait3A_97 : memref<1x125xi32, #tpu.memory_space<vmem>> -> memref<125xi32, #tpu.memory_space<vmem>>
        %dma_wait3A_99 = arith.constant 0 : i32
        %dma_wait3A_100 = arith.constant 0 : i32
        %dma_wait3A_101 = tpu.memref_slice %arg15[%dma_wait3A_99, %dma_wait3A_100] : memref<10000x128xf32, #tpu.memory_space<vmem_shared>> -> memref<10000x128xf32, #tpu.memory_space<vmem_shared>>
        tpu.wait_indirect_dma semaphore(%run_scoped3A_89 : memref<!tpu.dma_semaphore, #tpu.memory_space<semaphore_mem>>) src(%arg10 : memref<125x128xf32, #tpu.memory_space<vmem>>) dst(%dma_wait3A_101 : memref<10000x128xf32, #tpu.memory_space<vmem_shared>>)
        tpu.yield
      }) : () -> ()
      %add3A_82 = arith.constant 2 : i32
      %add3A_83 = arith.addi %add3A_75, %add3A_82 : i32
      %lt3A_84 = arith.constant 40 : i32
      %lt3A_85 = arith.cmpi slt, %add3A_83, %lt3A_84 : i32
      %convert_element_type3A_86 = arith.extui %lt3A_85 : i1 to i32
      %cond3A_87 = arith.constant 0 : i32
      %cond3A_88 = arith.cmpi ne, %convert_element_type3A_86, %cond3A_87 : i32
      scf.if %cond3A_88 {
        %add3A_89 = arith.constant 2 : i32
        %add3A_90 = arith.addi %add3A_75, %add3A_89 : i32
        %dma_start3A_91 = arith.constant 0 : i32
        %dma_start3A_92 = tpu.memref_slice %arg7[%add3A_90, %dma_start3A_91] : memref<40x125xi32, #tpu.memory_space<vmem>> -> memref<1x125xi32, #tpu.memory_space<vmem>>
        %dma_start3A_93 = tpu.memref_squeeze %dma_start3A_92 : memref<1x125xi32, #tpu.memory_space<vmem>> -> memref<125xi32, #tpu.memory_space<vmem>>
        %dma_start3A_94 = arith.constant 0 : i32
        %dma_start3A_95 = arith.constant 0 : i32
        %dma_start3A_96 = tpu.memref_slice %arg2[%dma_start3A_94, %dma_start3A_95] : memref<10000x128xf32, #tpu.memory_space<hbm>> -> memref<10000x128xf32, #tpu.memory_space<hbm>>
        tpu.enqueue_indirect_dma source(%dma_start3A_96 : memref<10000x128xf32, #tpu.memory_space<hbm>>) target(%arg10 : memref<125x128xf32, #tpu.memory_space<vmem>>) offsets(%dma_start3A_93 : memref<125xi32, #tpu.memory_space<vmem>>) semaphore(%arg12 : memref<!tpu.dma_semaphore, #tpu.memory_space<semaphore_mem>>)
      } else {
      }
    }
    %scan3A_45 = arith.constant 20 : i32
    %barrier3A_46 = arith.constant 0 : index
    tpu.barrier barrier_id(%barrier3A_46)
    %mul3A_47 = arith.constant 624 : i32
    %mul3A_48 = arith.muli %arg1, %mul3A_47 : i32
    %mul3A_49 = arith.constant 624 : i32
    %mul3A_50 = arith.muli %arg1, %mul3A_49 : i32
    "tpu.region"() ({
      %run_scoped3A_56 = tpu.sem_alloc : memref<!tpu.dma_semaphore, #tpu.memory_space<semaphore_mem>>
      %dma_start3A_57 = arith.constant 0 : i32
      %dma_start3A_58 = tpu.memref_slice %arg6[%arg0, %mul3A_50, %dma_start3A_57] : memref<2x10000x128xf32, #tpu.memory_space<hbm>> -> memref<1x624x128xf32, #tpu.memory_space<hbm>>
      %dma_start3A_59 = tpu.memref_squeeze %dma_start3A_58 : memref<1x624x128xf32, #tpu.memory_space<hbm>> -> memref<624x128xf32, #tpu.memory_space<hbm>>
      %dma_start3A_60 = arith.constant 0 : i32
      %dma_start3A_61 = tpu.memref_slice %arg15[%mul3A_48, %dma_start3A_60] : memref<10000x128xf32, #tpu.memory_space<vmem_shared>> -> memref<624x128xf32, #tpu.memory_space<vmem_shared>>
      tpu.enqueue_dma source(%dma_start3A_61 : memref<624x128xf32, #tpu.memory_space<vmem_shared>>) target(%dma_start3A_59 : memref<624x128xf32, #tpu.memory_space<hbm>>) target_semaphore(%run_scoped3A_56 : memref<!tpu.dma_semaphore, #tpu.memory_space<semaphore_mem>>)
      %dma_wait3A = arith.constant 0 : i32
      %dma_wait3A_62 = tpu.memref_slice %arg6[%arg0, %mul3A_50, %dma_wait3A] : memref<2x10000x128xf32, #tpu.memory_space<hbm>> -> memref<1x624x128xf32, #tpu.memory_space<hbm>>
      %dma_wait3A_63 = tpu.memref_squeeze %dma_wait3A_62 : memref<1x624x128xf32, #tpu.memory_space<hbm>> -> memref<624x128xf32, #tpu.memory_space<hbm>>
      %dma_wait3A_64 = arith.constant 0 : i32
      %dma_wait3A_65 = tpu.memref_slice %arg15[%mul3A_48, %dma_wait3A_64] : memref<10000x128xf32, #tpu.memory_space<vmem_shared>> -> memref<624x128xf32, #tpu.memory_space<vmem_shared>>
      tpu.wait_dma2 semaphore(%run_scoped3A_56 : memref<!tpu.dma_semaphore, #tpu.memory_space<semaphore_mem>>) src(%dma_wait3A_65 : memref<624x128xf32, #tpu.memory_space<vmem_shared>>) dst(%dma_wait3A_63 : memref<624x128xf32, #tpu.memory_space<hbm>>)
      tpu.yield
    }) : () -> ()
    %eq3A_51 = arith.constant 15 : i32
    %eq3A_52 = arith.cmpi eq, %arg1, %eq3A_51 : i32
    %convert_element_type3A_53 = arith.extui %eq3A_52 : i1 to i32
    %cond3A_54 = arith.constant 0 : i32
    %cond3A_55 = arith.cmpi ne, %convert_element_type3A_53, %cond3A_54 : i32
    scf.if %cond3A_55 {
      "tpu.region"() ({
        %run_scoped3A_56 = tpu.sem_alloc : memref<!tpu.dma_semaphore, #tpu.memory_space<semaphore_mem>>
        %dma_start3A_57 = arith.constant 9984 : i32
        %dma_start3A_58 = arith.constant 0 : i32
        %dma_start3A_59 = tpu.memref_slice %arg6[%arg0, %dma_start3A_57, %dma_start3A_58] : memref<2x10000x128xf32, #tpu.memory_space<hbm>> -> memref<1x16x128xf32, #tpu.memory_space<hbm>>
        %dma_start3A_60 = tpu.memref_squeeze %dma_start3A_59 : memref<1x16x128xf32, #tpu.memory_space<hbm>> -> memref<16x128xf32, #tpu.memory_space<hbm>>
        %dma_start3A_61 = arith.constant 9984 : i32
        %dma_start3A_62 = arith.constant 0 : i32
        %dma_start3A_63 = tpu.memref_slice %arg15[%dma_start3A_61, %dma_start3A_62] : memref<10000x128xf32, #tpu.memory_space<vmem_shared>> -> memref<16x128xf32, #tpu.memory_space<vmem_shared>>
        tpu.enqueue_dma source(%dma_start3A_63 : memref<16x128xf32, #tpu.memory_space<vmem_shared>>) target(%dma_start3A_60 : memref<16x128xf32, #tpu.memory_space<hbm>>) target_semaphore(%run_scoped3A_56 : memref<!tpu.dma_semaphore, #tpu.memory_space<semaphore_mem>>)
        %dma_wait3A = arith.constant 9984 : i32
        %dma_wait3A_64 = arith.constant 0 : i32
        %dma_wait3A_65 = tpu.memref_slice %arg6[%arg0, %dma_wait3A, %dma_wait3A_64] : memref<2x10000x128xf32, #tpu.memory_space<hbm>> -> memref<1x16x128xf32, #tpu.memory_space<hbm>>
        %dma_wait3A_66 = tpu.memref_squeeze %dma_wait3A_65 : memref<1x16x128xf32, #tpu.memory_space<hbm>> -> memref<16x128xf32, #tpu.memory_space<hbm>>
        %dma_wait3A_67 = arith.constant 9984 : i32
        %dma_wait3A_68 = arith.constant 0 : i32
        %dma_wait3A_69 = tpu.memref_slice %arg15[%dma_wait3A_67, %dma_wait3A_68] : memref<10000x128xf32, #tpu.memory_space<vmem_shared>> -> memref<16x128xf32, #tpu.memory_space<vmem_shared>>
        tpu.wait_dma2 semaphore(%run_scoped3A_56 : memref<!tpu.dma_semaphore, #tpu.memory_space<semaphore_mem>>) src(%dma_wait3A_69 : memref<16x128xf32, #tpu.memory_space<vmem_shared>>) dst(%dma_wait3A_66 : memref<16x128xf32, #tpu.memory_space<hbm>>)
        tpu.yield
      }) : () -> ()
    } else {
    }
    return
  }
}

#map = affine_map<(d0, d1) -> (0, 0)>
#map1 = affine_map<(d0, d1) -> (0, 0, 0, 0)>
#map2 = affine_map<(d0, d1) -> (0, 0, 0)>
module attributes {stable_mosaic.version = 14 : i64} {
  func.func @_spmm_body(%arg0: i32, %arg1: i32, %arg2: memref<10000x128xf32, #tpu.memory_space<hbm>>, %arg3: memref<32x2x40x125xi32, #tpu.memory_space<hbm>>, %arg4: memref<32x2x40x125xi32, #tpu.memory_space<hbm>>, %arg5: memref<10000x128xf32, #tpu.memory_space<hbm>>, %arg6: memref<2x10000x128xf32, #tpu.memory_space<hbm>>, %arg7: memref<40x125xi32, #tpu.memory_space<vmem>>, %arg8: memref<40x125xi32, #tpu.memory_space<vmem>>, %arg9: memref<125x128xf32, #tpu.memory_space<vmem>>, %arg10: memref<125x128xf32, #tpu.memory_space<vmem>>, %arg11: memref<!tpu.dma_semaphore, #tpu.memory_space<semaphore_mem>>, %arg12: memref<!tpu.dma_semaphore, #tpu.memory_space<semaphore_mem>>, %arg13: memref<!tpu.dma_semaphore, #tpu.memory_space<semaphore_mem>>, %arg14: memref<!tpu.dma_semaphore, #tpu.memory_space<semaphore_mem>>, %arg15: memref<10000x128xf32, #tpu.memory_space<vmem_shared>>) attributes {dimension_semantics = [#tpu.dimension_semantics<core_parallel>, #tpu.dimension_semantics<subcore_parallel>], iteration_bounds = array<i64: 2, 16>, scalar_prefetch = 0 : i64, scratch_operands = 9 : i64, tpu.core_type = #tpu.core_type<sc_vector_subcore>, window_params = [{transform_indices = #map}, {transform_indices = #map1}, {transform_indices = #map1}, {transform_indices = #map}, {transform_indices = #map2}]} {
    %mul3A = arith.constant 16 : i32
    %mul3A_0 = arith.muli %arg0, %mul3A : i32
    %add3A = arith.addi %mul3A_0, %arg1 : i32
    %run_scoped3A = arith.constant 0 : i32
    "tpu.region"() ({
      %run_scoped3A_56 = tpu.sem_alloc : memref<!tpu.dma_semaphore, #tpu.memory_space<semaphore_mem>>
      %dma_start3A_57 = arith.constant 0 : i32
      %dma_start3A_58 = arith.constant 0 : i32
      %dma_start3A_59 = tpu.memref_slice %arg4[%add3A, %run_scoped3A, %dma_start3A_57, %dma_start3A_58] : memref<32x2x40x125xi32, #tpu.memory_space<hbm>> -> memref<1x1x40x125xi32, #tpu.memory_space<hbm>>
      %dma_start3A_60 = tpu.memref_squeeze %dma_start3A_59 : memref<1x1x40x125xi32, #tpu.memory_space<hbm>> -> memref<40x125xi32, #tpu.memory_space<hbm>>
      %dma_start3A_61 = arith.constant 0 : i32
      %dma_start3A_62 = arith.constant 0 : i32
      %dma_start3A_63 = tpu.memref_slice %arg4[%add3A, %run_scoped3A, %dma_start3A_61, %dma_start3A_62] : memref<32x2x40x125xi32, #tpu.memory_space<hbm>> -> memref<1x1x40x125xi32, #tpu.memory_space<hbm>>
      %dma_start3A_64 = tpu.memref_squeeze %dma_start3A_63 : memref<1x1x40x125xi32, #tpu.memory_space<hbm>> -> memref<40x125xi32, #tpu.memory_space<hbm>>
      tpu.enqueue_dma source(%dma_start3A_64 : memref<40x125xi32, #tpu.memory_space<hbm>>) target(%arg7 : memref<40x125xi32, #tpu.memory_space<vmem>>) target_semaphore(%run_scoped3A_56 : memref<!tpu.dma_semaphore, #tpu.memory_space<semaphore_mem>>)
      %dma_wait3A = arith.constant 0 : i32
      %dma_wait3A_65 = arith.constant 0 : i32
      %dma_wait3A_66 = tpu.memref_slice %arg4[%add3A, %run_scoped3A, %dma_wait3A, %dma_wait3A_65] : memref<32x2x40x125xi32, #tpu.memory_space<hbm>> -> memref<1x1x40x125xi32, #tpu.memory_space<hbm>>
      %dma_wait3A_67 = tpu.memref_squeeze %dma_wait3A_66 : memref<1x1x40x125xi32, #tpu.memory_space<hbm>> -> memref<40x125xi32, #tpu.memory_space<hbm>>
      %dma_wait3A_68 = arith.constant 0 : i32
      %dma_wait3A_69 = arith.constant 0 : i32
      %dma_wait3A_70 = tpu.memref_slice %arg4[%add3A, %run_scoped3A, %dma_wait3A_68, %dma_wait3A_69] : memref<32x2x40x125xi32, #tpu.memory_space<hbm>> -> memref<1x1x40x125xi32, #tpu.memory_space<hbm>>
      %dma_wait3A_71 = tpu.memref_squeeze %dma_wait3A_70 : memref<1x1x40x125xi32, #tpu.memory_space<hbm>> -> memref<40x125xi32, #tpu.memory_space<hbm>>
      tpu.wait_dma2 semaphore(%run_scoped3A_56 : memref<!tpu.dma_semaphore, #tpu.memory_space<semaphore_mem>>) src(%dma_wait3A_71 : memref<40x125xi32, #tpu.memory_space<hbm>>) dst(%arg7 : memref<40x125xi32, #tpu.memory_space<vmem>>)
      tpu.yield
    }) : () -> ()
    %run_scoped3A_1 = arith.constant 0 : i32
    "tpu.region"() ({
      %run_scoped3A_56 = tpu.sem_alloc : memref<!tpu.dma_semaphore, #tpu.memory_space<semaphore_mem>>
      %dma_start3A_57 = arith.constant 0 : i32
      %dma_start3A_58 = arith.constant 0 : i32
      %dma_start3A_59 = tpu.memref_slice %arg3[%add3A, %run_scoped3A_1, %dma_start3A_57, %dma_start3A_58] : memref<32x2x40x125xi32, #tpu.memory_space<hbm>> -> memref<1x1x40x125xi32, #tpu.memory_space<hbm>>
      %dma_start3A_60 = tpu.memref_squeeze %dma_start3A_59 : memref<1x1x40x125xi32, #tpu.memory_space<hbm>> -> memref<40x125xi32, #tpu.memory_space<hbm>>
      %dma_start3A_61 = arith.constant 0 : i32
      %dma_start3A_62 = arith.constant 0 : i32
      %dma_start3A_63 = tpu.memref_slice %arg3[%add3A, %run_scoped3A_1, %dma_start3A_61, %dma_start3A_62] : memref<32x2x40x125xi32, #tpu.memory_space<hbm>> -> memref<1x1x40x125xi32, #tpu.memory_space<hbm>>
      %dma_start3A_64 = tpu.memref_squeeze %dma_start3A_63 : memref<1x1x40x125xi32, #tpu.memory_space<hbm>> -> memref<40x125xi32, #tpu.memory_space<hbm>>
      tpu.enqueue_dma source(%dma_start3A_64 : memref<40x125xi32, #tpu.memory_space<hbm>>) target(%arg8 : memref<40x125xi32, #tpu.memory_space<vmem>>) target_semaphore(%run_scoped3A_56 : memref<!tpu.dma_semaphore, #tpu.memory_space<semaphore_mem>>)
      %dma_wait3A = arith.constant 0 : i32
      %dma_wait3A_65 = arith.constant 0 : i32
      %dma_wait3A_66 = tpu.memref_slice %arg3[%add3A, %run_scoped3A_1, %dma_wait3A, %dma_wait3A_65] : memref<32x2x40x125xi32, #tpu.memory_space<hbm>> -> memref<1x1x40x125xi32, #tpu.memory_space<hbm>>
      %dma_wait3A_67 = tpu.memref_squeeze %dma_wait3A_66 : memref<1x1x40x125xi32, #tpu.memory_space<hbm>> -> memref<40x125xi32, #tpu.memory_space<hbm>>
      %dma_wait3A_68 = arith.constant 0 : i32
      %dma_wait3A_69 = arith.constant 0 : i32
      %dma_wait3A_70 = tpu.memref_slice %arg3[%add3A, %run_scoped3A_1, %dma_wait3A_68, %dma_wait3A_69] : memref<32x2x40x125xi32, #tpu.memory_space<hbm>> -> memref<1x1x40x125xi32, #tpu.memory_space<hbm>>
      %dma_wait3A_71 = tpu.memref_squeeze %dma_wait3A_70 : memref<1x1x40x125xi32, #tpu.memory_space<hbm>> -> memref<40x125xi32, #tpu.memory_space<hbm>>
      tpu.wait_dma2 semaphore(%run_scoped3A_56 : memref<!tpu.dma_semaphore, #tpu.memory_space<semaphore_mem>>) src(%dma_wait3A_71 : memref<40x125xi32, #tpu.memory_space<hbm>>) dst(%arg8 : memref<40x125xi32, #tpu.memory_space<vmem>>)
      tpu.yield
    }) : () -> ()
    %dma_start3A = arith.constant 0 : i32
    %dma_start3A_2 = arith.constant 0 : i32
    %dma_start3A_3 = tpu.memref_slice %arg7[%dma_start3A, %dma_start3A_2] : memref<40x125xi32, #tpu.memory_space<vmem>> -> memref<1x125xi32, #tpu.memory_space<vmem>>
    %dma_start3A_4 = tpu.memref_squeeze %dma_start3A_3 : memref<1x125xi32, #tpu.memory_space<vmem>> -> memref<125xi32, #tpu.memory_space<vmem>>
    %dma_start3A_5 = arith.constant 0 : i32
    %dma_start3A_6 = arith.constant 0 : i32
    %dma_start3A_7 = tpu.memref_slice %arg2[%dma_start3A_5, %dma_start3A_6] : memref<10000x128xf32, #tpu.memory_space<hbm>> -> memref<10000x128xf32, #tpu.memory_space<hbm>>
    tpu.enqueue_indirect_dma source(%dma_start3A_7 : memref<10000x128xf32, #tpu.memory_space<hbm>>) target(%arg9 : memref<125x128xf32, #tpu.memory_space<vmem>>) offsets(%dma_start3A_4 : memref<125xi32, #tpu.memory_space<vmem>>) semaphore(%arg11 : memref<!tpu.dma_semaphore, #tpu.memory_space<semaphore_mem>>)
    %dma_start3A_8 = arith.constant 1 : i32
    %dma_start3A_9 = arith.constant 0 : i32
    %dma_start3A_10 = tpu.memref_slice %arg7[%dma_start3A_8, %dma_start3A_9] : memref<40x125xi32, #tpu.memory_space<vmem>> -> memref<1x125xi32, #tpu.memory_space<vmem>>
    %dma_start3A_11 = tpu.memref_squeeze %dma_start3A_10 : memref<1x125xi32, #tpu.memory_space<vmem>> -> memref<125xi32, #tpu.memory_space<vmem>>
    %dma_start3A_12 = arith.constant 0 : i32
    %dma_start3A_13 = arith.constant 0 : i32
    %dma_start3A_14 = tpu.memref_slice %arg2[%dma_start3A_12, %dma_start3A_13] : memref<10000x128xf32, #tpu.memory_space<hbm>> -> memref<10000x128xf32, #tpu.memory_space<hbm>>
    tpu.enqueue_indirect_dma source(%dma_start3A_14 : memref<10000x128xf32, #tpu.memory_space<hbm>>) target(%arg10 : memref<125x128xf32, #tpu.memory_space<vmem>>) offsets(%dma_start3A_11 : memref<125xi32, #tpu.memory_space<vmem>>) semaphore(%arg12 : memref<!tpu.dma_semaphore, #tpu.memory_space<semaphore_mem>>)
    %mul3A_15 = arith.constant 624 : i32
    %mul3A_16 = arith.muli %arg1, %mul3A_15 : i32
    %mul3A_17 = arith.constant 624 : i32
    %mul3A_18 = arith.muli %arg1, %mul3A_17 : i32
    "tpu.region"() ({
      %run_scoped3A_56 = tpu.sem_alloc : memref<!tpu.dma_semaphore, #tpu.memory_space<semaphore_mem>>
      %dma_start3A_57 = arith.constant 0 : i32
      %dma_start3A_58 = tpu.memref_slice %arg15[%mul3A_18, %dma_start3A_57] : memref<10000x128xf32, #tpu.memory_space<vmem_shared>> -> memref<624x128xf32, #tpu.memory_space<vmem_shared>>
      %dma_start3A_59 = arith.constant 0 : i32
      %dma_start3A_60 = tpu.memref_slice %arg5[%mul3A_16, %dma_start3A_59] : memref<10000x128xf32, #tpu.memory_space<hbm>> -> memref<624x128xf32, #tpu.memory_space<hbm>>
      tpu.enqueue_dma source(%dma_start3A_60 : memref<624x128xf32, #tpu.memory_space<hbm>>) target(%dma_start3A_58 : memref<624x128xf32, #tpu.memory_space<vmem_shared>>) target_semaphore(%run_scoped3A_56 : memref<!tpu.dma_semaphore, #tpu.memory_space<semaphore_mem>>)
      %dma_wait3A = arith.constant 0 : i32
      %dma_wait3A_61 = tpu.memref_slice %arg15[%mul3A_18, %dma_wait3A] : memref<10000x128xf32, #tpu.memory_space<vmem_shared>> -> memref<624x128xf32, #tpu.memory_space<vmem_shared>>
      %dma_wait3A_62 = arith.constant 0 : i32
      %dma_wait3A_63 = tpu.memref_slice %arg5[%mul3A_16, %dma_wait3A_62] : memref<10000x128xf32, #tpu.memory_space<hbm>> -> memref<624x128xf32, #tpu.memory_space<hbm>>
      tpu.wait_dma2 semaphore(%run_scoped3A_56 : memref<!tpu.dma_semaphore, #tpu.memory_space<semaphore_mem>>) src(%dma_wait3A_63 : memref<624x128xf32, #tpu.memory_space<hbm>>) dst(%dma_wait3A_61 : memref<624x128xf32, #tpu.memory_space<vmem_shared>>)
      tpu.yield
    }) : () -> ()
    %eq3A = arith.constant 15 : i32
    %eq3A_19 = arith.cmpi eq, %arg1, %eq3A : i32
    %convert_element_type3A = arith.extui %eq3A_19 : i1 to i32
    %cond3A = arith.constant 0 : i32
    %cond3A_20 = arith.cmpi ne, %convert_element_type3A, %cond3A : i32
    scf.if %cond3A_20 {
      "tpu.region"() ({
        %run_scoped3A_56 = tpu.sem_alloc : memref<!tpu.dma_semaphore, #tpu.memory_space<semaphore_mem>>
        %dma_start3A_57 = arith.constant 9984 : i32
        %dma_start3A_58 = arith.constant 0 : i32
        %dma_start3A_59 = tpu.memref_slice %arg15[%dma_start3A_57, %dma_start3A_58] : memref<10000x128xf32, #tpu.memory_space<vmem_shared>> -> memref<16x128xf32, #tpu.memory_space<vmem_shared>>
        %dma_start3A_60 = arith.constant 9984 : i32
        %dma_start3A_61 = arith.constant 0 : i32
        %dma_start3A_62 = tpu.memref_slice %arg5[%dma_start3A_60, %dma_start3A_61] : memref<10000x128xf32, #tpu.memory_space<hbm>> -> memref<16x128xf32, #tpu.memory_space<hbm>>
        tpu.enqueue_dma source(%dma_start3A_62 : memref<16x128xf32, #tpu.memory_space<hbm>>) target(%dma_start3A_59 : memref<16x128xf32, #tpu.memory_space<vmem_shared>>) target_semaphore(%run_scoped3A_56 : memref<!tpu.dma_semaphore, #tpu.memory_space<semaphore_mem>>)
        %dma_wait3A = arith.constant 9984 : i32
        %dma_wait3A_63 = arith.constant 0 : i32
        %dma_wait3A_64 = tpu.memref_slice %arg15[%dma_wait3A, %dma_wait3A_63] : memref<10000x128xf32, #tpu.memory_space<vmem_shared>> -> memref<16x128xf32, #tpu.memory_space<vmem_shared>>
        %dma_wait3A_65 = arith.constant 9984 : i32
        %dma_wait3A_66 = arith.constant 0 : i32
        %dma_wait3A_67 = tpu.memref_slice %arg5[%dma_wait3A_65, %dma_wait3A_66] : memref<10000x128xf32, #tpu.memory_space<hbm>> -> memref<16x128xf32, #tpu.memory_space<hbm>>
        tpu.wait_dma2 semaphore(%run_scoped3A_56 : memref<!tpu.dma_semaphore, #tpu.memory_space<semaphore_mem>>) src(%dma_wait3A_67 : memref<16x128xf32, #tpu.memory_space<hbm>>) dst(%dma_wait3A_64 : memref<16x128xf32, #tpu.memory_space<vmem_shared>>)
        tpu.yield
      }) : () -> ()
    } else {
    }
    %barrier3A = arith.constant 0 : index
    tpu.barrier barrier_id(%barrier3A)
    %scan3A = arith.constant 0 : i32
    %scan3A_21 = arith.constant 20 : i32
    %scan3A_22 = arith.addi %scan3A, %scan3A_21 : i32
    %scan3A_23 = arith.constant 1 : i32
    scf.for %scan3A_56 = %scan3A to %scan3A_22 step %scan3A_23  : i32 {
      %mul3A_57 = arith.constant 2 : i32
      %mul3A_58 = arith.muli %scan3A_56, %mul3A_57 : i32
      %add3A_59 = arith.constant 0 : i32
      %add3A_60 = arith.addi %add3A_59, %mul3A_58 : i32
      %add3A_61 = arith.constant 0 : i32
      %add3A_62 = arith.addi %add3A_60, %add3A_61 : i32
      %dma_wait3A = arith.constant 0 : i32
      %dma_wait3A_63 = tpu.memref_slice %arg7[%add3A_62, %dma_wait3A] : memref<40x125xi32, #tpu.memory_space<vmem>> -> memref<1x125xi32, #tpu.memory_space<vmem>>
      %dma_wait3A_64 = tpu.memref_squeeze %dma_wait3A_63 : memref<1x125xi32, #tpu.memory_space<vmem>> -> memref<125xi32, #tpu.memory_space<vmem>>
      %dma_wait3A_65 = arith.constant 0 : i32
      %dma_wait3A_66 = arith.constant 0 : i32
      %dma_wait3A_67 = tpu.memref_slice %arg2[%dma_wait3A_65, %dma_wait3A_66] : memref<10000x128xf32, #tpu.memory_space<hbm>> -> memref<10000x128xf32, #tpu.memory_space<hbm>>
      tpu.wait_indirect_dma semaphore(%arg11 : memref<!tpu.dma_semaphore, #tpu.memory_space<semaphore_mem>>) src(%dma_wait3A_67 : memref<10000x128xf32, #tpu.memory_space<hbm>>) dst(%arg9 : memref<125x128xf32, #tpu.memory_space<vmem>>)
      "tpu.region"() ({
        %run_scoped3A_89 = tpu.sem_alloc : memref<!tpu.dma_semaphore, #tpu.memory_space<semaphore_mem>>
        %dma_start3A_90 = arith.constant 0 : i32
        %dma_start3A_91 = tpu.memref_slice %arg8[%add3A_62, %dma_start3A_90] : memref<40x125xi32, #tpu.memory_space<vmem>> -> memref<1x125xi32, #tpu.memory_space<vmem>>
        %dma_start3A_92 = tpu.memref_squeeze %dma_start3A_91 : memref<1x125xi32, #tpu.memory_space<vmem>> -> memref<125xi32, #tpu.memory_space<vmem>>
        %dma_start3A_93 = arith.constant 0 : i32
        %dma_start3A_94 = arith.constant 0 : i32
        %dma_start3A_95 = tpu.memref_slice %arg15[%dma_start3A_93, %dma_start3A_94] : memref<10000x128xf32, #tpu.memory_space<vmem_shared>> -> memref<10000x128xf32, #tpu.memory_space<vmem_shared>>
        tpu.enqueue_indirect_dma source(%arg9 : memref<125x128xf32, #tpu.memory_space<vmem>>) target(%dma_start3A_95 : memref<10000x128xf32, #tpu.memory_space<vmem_shared>>) offsets(%dma_start3A_92 : memref<125xi32, #tpu.memory_space<vmem>>) semaphore(%run_scoped3A_89 : memref<!tpu.dma_semaphore, #tpu.memory_space<semaphore_mem>>) {add = true}
        %dma_wait3A_96 = arith.constant 0 : i32
        %dma_wait3A_97 = tpu.memref_slice %arg8[%add3A_62, %dma_wait3A_96] : memref<40x125xi32, #tpu.memory_space<vmem>> -> memref<1x125xi32, #tpu.memory_space<vmem>>
        %dma_wait3A_98 = tpu.memref_squeeze %dma_wait3A_97 : memref<1x125xi32, #tpu.memory_space<vmem>> -> memref<125xi32, #tpu.memory_space<vmem>>
        %dma_wait3A_99 = arith.constant 0 : i32
        %dma_wait3A_100 = arith.constant 0 : i32
        %dma_wait3A_101 = tpu.memref_slice %arg15[%dma_wait3A_99, %dma_wait3A_100] : memref<10000x128xf32, #tpu.memory_space<vmem_shared>> -> memref<10000x128xf32, #tpu.memory_space<vmem_shared>>
        tpu.wait_indirect_dma semaphore(%run_scoped3A_89 : memref<!tpu.dma_semaphore, #tpu.memory_space<semaphore_mem>>) src(%arg9 : memref<125x128xf32, #tpu.memory_space<vmem>>) dst(%dma_wait3A_101 : memref<10000x128xf32, #tpu.memory_space<vmem_shared>>)
        tpu.yield
      }) : () -> ()
      %add3A_68 = arith.constant 2 : i32
      %add3A_69 = arith.addi %add3A_62, %add3A_68 : i32
      %lt3A = arith.constant 40 : i32
      %lt3A_70 = arith.cmpi slt, %add3A_69, %lt3A : i32
      %convert_element_type3A_71 = arith.extui %lt3A_70 : i1 to i32
      %cond3A_72 = arith.constant 0 : i32
      %cond3A_73 = arith.cmpi ne, %convert_element_type3A_71, %cond3A_72 : i32
      scf.if %cond3A_73 {
        %add3A_89 = arith.constant 2 : i32
        %add3A_90 = arith.addi %add3A_62, %add3A_89 : i32
        %dma_start3A_91 = arith.constant 0 : i32
        %dma_start3A_92 = tpu.memref_slice %arg7[%add3A_90, %dma_start3A_91] : memref<40x125xi32, #tpu.memory_space<vmem>> -> memref<1x125xi32, #tpu.memory_space<vmem>>
        %dma_start3A_93 = tpu.memref_squeeze %dma_start3A_92 : memref<1x125xi32, #tpu.memory_space<vmem>> -> memref<125xi32, #tpu.memory_space<vmem>>
        %dma_start3A_94 = arith.constant 0 : i32
        %dma_start3A_95 = arith.constant 0 : i32
        %dma_start3A_96 = tpu.memref_slice %arg2[%dma_start3A_94, %dma_start3A_95] : memref<10000x128xf32, #tpu.memory_space<hbm>> -> memref<10000x128xf32, #tpu.memory_space<hbm>>
        tpu.enqueue_indirect_dma source(%dma_start3A_96 : memref<10000x128xf32, #tpu.memory_space<hbm>>) target(%arg9 : memref<125x128xf32, #tpu.memory_space<vmem>>) offsets(%dma_start3A_93 : memref<125xi32, #tpu.memory_space<vmem>>) semaphore(%arg11 : memref<!tpu.dma_semaphore, #tpu.memory_space<semaphore_mem>>)
      } else {
      }
      %add3A_74 = arith.constant 1 : i32
      %add3A_75 = arith.addi %add3A_60, %add3A_74 : i32
      %dma_wait3A_76 = arith.constant 0 : i32
      %dma_wait3A_77 = tpu.memref_slice %arg7[%add3A_75, %dma_wait3A_76] : memref<40x125xi32, #tpu.memory_space<vmem>> -> memref<1x125xi32, #tpu.memory_space<vmem>>
      %dma_wait3A_78 = tpu.memref_squeeze %dma_wait3A_77 : memref<1x125xi32, #tpu.memory_space<vmem>> -> memref<125xi32, #tpu.memory_space<vmem>>
      %dma_wait3A_79 = arith.constant 0 : i32
      %dma_wait3A_80 = arith.constant 0 : i32
      %dma_wait3A_81 = tpu.memref_slice %arg2[%dma_wait3A_79, %dma_wait3A_80] : memref<10000x128xf32, #tpu.memory_space<hbm>> -> memref<10000x128xf32, #tpu.memory_space<hbm>>
      tpu.wait_indirect_dma semaphore(%arg12 : memref<!tpu.dma_semaphore, #tpu.memory_space<semaphore_mem>>) src(%dma_wait3A_81 : memref<10000x128xf32, #tpu.memory_space<hbm>>) dst(%arg10 : memref<125x128xf32, #tpu.memory_space<vmem>>)
      "tpu.region"() ({
        %run_scoped3A_89 = tpu.sem_alloc : memref<!tpu.dma_semaphore, #tpu.memory_space<semaphore_mem>>
        %dma_start3A_90 = arith.constant 0 : i32
        %dma_start3A_91 = tpu.memref_slice %arg8[%add3A_75, %dma_start3A_90] : memref<40x125xi32, #tpu.memory_space<vmem>> -> memref<1x125xi32, #tpu.memory_space<vmem>>
        %dma_start3A_92 = tpu.memref_squeeze %dma_start3A_91 : memref<1x125xi32, #tpu.memory_space<vmem>> -> memref<125xi32, #tpu.memory_space<vmem>>
        %dma_start3A_93 = arith.constant 0 : i32
        %dma_start3A_94 = arith.constant 0 : i32
        %dma_start3A_95 = tpu.memref_slice %arg15[%dma_start3A_93, %dma_start3A_94] : memref<10000x128xf32, #tpu.memory_space<vmem_shared>> -> memref<10000x128xf32, #tpu.memory_space<vmem_shared>>
        tpu.enqueue_indirect_dma source(%arg10 : memref<125x128xf32, #tpu.memory_space<vmem>>) target(%dma_start3A_95 : memref<10000x128xf32, #tpu.memory_space<vmem_shared>>) offsets(%dma_start3A_92 : memref<125xi32, #tpu.memory_space<vmem>>) semaphore(%run_scoped3A_89 : memref<!tpu.dma_semaphore, #tpu.memory_space<semaphore_mem>>) {add = true}
        %dma_wait3A_96 = arith.constant 0 : i32
        %dma_wait3A_97 = tpu.memref_slice %arg8[%add3A_75, %dma_wait3A_96] : memref<40x125xi32, #tpu.memory_space<vmem>> -> memref<1x125xi32, #tpu.memory_space<vmem>>
        %dma_wait3A_98 = tpu.memref_squeeze %dma_wait3A_97 : memref<1x125xi32, #tpu.memory_space<vmem>> -> memref<125xi32, #tpu.memory_space<vmem>>
        %dma_wait3A_99 = arith.constant 0 : i32
        %dma_wait3A_100 = arith.constant 0 : i32
        %dma_wait3A_101 = tpu.memref_slice %arg15[%dma_wait3A_99, %dma_wait3A_100] : memref<10000x128xf32, #tpu.memory_space<vmem_shared>> -> memref<10000x128xf32, #tpu.memory_space<vmem_shared>>
        tpu.wait_indirect_dma semaphore(%run_scoped3A_89 : memref<!tpu.dma_semaphore, #tpu.memory_space<semaphore_mem>>) src(%arg10 : memref<125x128xf32, #tpu.memory_space<vmem>>) dst(%dma_wait3A_101 : memref<10000x128xf32, #tpu.memory_space<vmem_shared>>)
        tpu.yield
      }) : () -> ()
      %add3A_82 = arith.constant 2 : i32
      %add3A_83 = arith.addi %add3A_75, %add3A_82 : i32
      %lt3A_84 = arith.constant 40 : i32
      %lt3A_85 = arith.cmpi slt, %add3A_83, %lt3A_84 : i32
      %convert_element_type3A_86 = arith.extui %lt3A_85 : i1 to i32
      %cond3A_87 = arith.constant 0 : i32
      %cond3A_88 = arith.cmpi ne, %convert_element_type3A_86, %cond3A_87 : i32
      scf.if %cond3A_88 {
        %add3A_89 = arith.constant 2 : i32
        %add3A_90 = arith.addi %add3A_75, %add3A_89 : i32
        %dma_start3A_91 = arith.constant 0 : i32
        %dma_start3A_92 = tpu.memref_slice %arg7[%add3A_90, %dma_start3A_91] : memref<40x125xi32, #tpu.memory_space<vmem>> -> memref<1x125xi32, #tpu.memory_space<vmem>>
        %dma_start3A_93 = tpu.memref_squeeze %dma_start3A_92 : memref<1x125xi32, #tpu.memory_space<vmem>> -> memref<125xi32, #tpu.memory_space<vmem>>
        %dma_start3A_94 = arith.constant 0 : i32
        %dma_start3A_95 = arith.constant 0 : i32
        %dma_start3A_96 = tpu.memref_slice %arg2[%dma_start3A_94, %dma_start3A_95] : memref<10000x128xf32, #tpu.memory_space<hbm>> -> memref<10000x128xf32, #tpu.memory_space<hbm>>
        tpu.enqueue_indirect_dma source(%dma_start3A_96 : memref<10000x128xf32, #tpu.memory_space<hbm>>) target(%arg10 : memref<125x128xf32, #tpu.memory_space<vmem>>) offsets(%dma_start3A_93 : memref<125xi32, #tpu.memory_space<vmem>>) semaphore(%arg12 : memref<!tpu.dma_semaphore, #tpu.memory_space<semaphore_mem>>)
      } else {
      }
    }
    %scan3A_24 = arith.constant 20 : i32
    %run_scoped3A_25 = arith.constant 1 : i32
    "tpu.region"() ({
      %run_scoped3A_56 = tpu.sem_alloc : memref<!tpu.dma_semaphore, #tpu.memory_space<semaphore_mem>>
      %dma_start3A_57 = arith.constant 0 : i32
      %dma_start3A_58 = arith.constant 0 : i32
      %dma_start3A_59 = tpu.memref_slice %arg4[%add3A, %run_scoped3A_25, %dma_start3A_57, %dma_start3A_58] : memref<32x2x40x125xi32, #tpu.memory_space<hbm>> -> memref<1x1x40x125xi32, #tpu.memory_space<hbm>>
      %dma_start3A_60 = tpu.memref_squeeze %dma_start3A_59 : memref<1x1x40x125xi32, #tpu.memory_space<hbm>> -> memref<40x125xi32, #tpu.memory_space<hbm>>
      %dma_start3A_61 = arith.constant 0 : i32
      %dma_start3A_62 = arith.constant 0 : i32
      %dma_start3A_63 = tpu.memref_slice %arg4[%add3A, %run_scoped3A_25, %dma_start3A_61, %dma_start3A_62] : memref<32x2x40x125xi32, #tpu.memory_space<hbm>> -> memref<1x1x40x125xi32, #tpu.memory_space<hbm>>
      %dma_start3A_64 = tpu.memref_squeeze %dma_start3A_63 : memref<1x1x40x125xi32, #tpu.memory_space<hbm>> -> memref<40x125xi32, #tpu.memory_space<hbm>>
      tpu.enqueue_dma source(%dma_start3A_64 : memref<40x125xi32, #tpu.memory_space<hbm>>) target(%arg7 : memref<40x125xi32, #tpu.memory_space<vmem>>) target_semaphore(%run_scoped3A_56 : memref<!tpu.dma_semaphore, #tpu.memory_space<semaphore_mem>>)
      %dma_wait3A = arith.constant 0 : i32
      %dma_wait3A_65 = arith.constant 0 : i32
      %dma_wait3A_66 = tpu.memref_slice %arg4[%add3A, %run_scoped3A_25, %dma_wait3A, %dma_wait3A_65] : memref<32x2x40x125xi32, #tpu.memory_space<hbm>> -> memref<1x1x40x125xi32, #tpu.memory_space<hbm>>
      %dma_wait3A_67 = tpu.memref_squeeze %dma_wait3A_66 : memref<1x1x40x125xi32, #tpu.memory_space<hbm>> -> memref<40x125xi32, #tpu.memory_space<hbm>>
      %dma_wait3A_68 = arith.constant 0 : i32
      %dma_wait3A_69 = arith.constant 0 : i32
      %dma_wait3A_70 = tpu.memref_slice %arg4[%add3A, %run_scoped3A_25, %dma_wait3A_68, %dma_wait3A_69] : memref<32x2x40x125xi32, #tpu.memory_space<hbm>> -> memref<1x1x40x125xi32, #tpu.memory_space<hbm>>
      %dma_wait3A_71 = tpu.memref_squeeze %dma_wait3A_70 : memref<1x1x40x125xi32, #tpu.memory_space<hbm>> -> memref<40x125xi32, #tpu.memory_space<hbm>>
      tpu.wait_dma2 semaphore(%run_scoped3A_56 : memref<!tpu.dma_semaphore, #tpu.memory_space<semaphore_mem>>) src(%dma_wait3A_71 : memref<40x125xi32, #tpu.memory_space<hbm>>) dst(%arg7 : memref<40x125xi32, #tpu.memory_space<vmem>>)
      tpu.yield
    }) : () -> ()
    %run_scoped3A_26 = arith.constant 1 : i32
    "tpu.region"() ({
      %run_scoped3A_56 = tpu.sem_alloc : memref<!tpu.dma_semaphore, #tpu.memory_space<semaphore_mem>>
      %dma_start3A_57 = arith.constant 0 : i32
      %dma_start3A_58 = arith.constant 0 : i32
      %dma_start3A_59 = tpu.memref_slice %arg3[%add3A, %run_scoped3A_26, %dma_start3A_57, %dma_start3A_58] : memref<32x2x40x125xi32, #tpu.memory_space<hbm>> -> memref<1x1x40x125xi32, #tpu.memory_space<hbm>>
      %dma_start3A_60 = tpu.memref_squeeze %dma_start3A_59 : memref<1x1x40x125xi32, #tpu.memory_space<hbm>> -> memref<40x125xi32, #tpu.memory_space<hbm>>
      %dma_start3A_61 = arith.constant 0 : i32
      %dma_start3A_62 = arith.constant 0 : i32
      %dma_start3A_63 = tpu.memref_slice %arg3[%add3A, %run_scoped3A_26, %dma_start3A_61, %dma_start3A_62] : memref<32x2x40x125xi32, #tpu.memory_space<hbm>> -> memref<1x1x40x125xi32, #tpu.memory_space<hbm>>
      %dma_start3A_64 = tpu.memref_squeeze %dma_start3A_63 : memref<1x1x40x125xi32, #tpu.memory_space<hbm>> -> memref<40x125xi32, #tpu.memory_space<hbm>>
      tpu.enqueue_dma source(%dma_start3A_64 : memref<40x125xi32, #tpu.memory_space<hbm>>) target(%arg8 : memref<40x125xi32, #tpu.memory_space<vmem>>) target_semaphore(%run_scoped3A_56 : memref<!tpu.dma_semaphore, #tpu.memory_space<semaphore_mem>>)
      %dma_wait3A = arith.constant 0 : i32
      %dma_wait3A_65 = arith.constant 0 : i32
      %dma_wait3A_66 = tpu.memref_slice %arg3[%add3A, %run_scoped3A_26, %dma_wait3A, %dma_wait3A_65] : memref<32x2x40x125xi32, #tpu.memory_space<hbm>> -> memref<1x1x40x125xi32, #tpu.memory_space<hbm>>
      %dma_wait3A_67 = tpu.memref_squeeze %dma_wait3A_66 : memref<1x1x40x125xi32, #tpu.memory_space<hbm>> -> memref<40x125xi32, #tpu.memory_space<hbm>>
      %dma_wait3A_68 = arith.constant 0 : i32
      %dma_wait3A_69 = arith.constant 0 : i32
      %dma_wait3A_70 = tpu.memref_slice %arg3[%add3A, %run_scoped3A_26, %dma_wait3A_68, %dma_wait3A_69] : memref<32x2x40x125xi32, #tpu.memory_space<hbm>> -> memref<1x1x40x125xi32, #tpu.memory_space<hbm>>
      %dma_wait3A_71 = tpu.memref_squeeze %dma_wait3A_70 : memref<1x1x40x125xi32, #tpu.memory_space<hbm>> -> memref<40x125xi32, #tpu.memory_space<hbm>>
      tpu.wait_dma2 semaphore(%run_scoped3A_56 : memref<!tpu.dma_semaphore, #tpu.memory_space<semaphore_mem>>) src(%dma_wait3A_71 : memref<40x125xi32, #tpu.memory_space<hbm>>) dst(%arg8 : memref<40x125xi32, #tpu.memory_space<vmem>>)
      tpu.yield
    }) : () -> ()
    %dma_start3A_27 = arith.constant 0 : i32
    %dma_start3A_28 = arith.constant 0 : i32
    %dma_start3A_29 = tpu.memref_slice %arg7[%dma_start3A_27, %dma_start3A_28] : memref<40x125xi32, #tpu.memory_space<vmem>> -> memref<1x125xi32, #tpu.memory_space<vmem>>
    %dma_start3A_30 = tpu.memref_squeeze %dma_start3A_29 : memref<1x125xi32, #tpu.memory_space<vmem>> -> memref<125xi32, #tpu.memory_space<vmem>>
    %dma_start3A_31 = arith.constant 0 : i32
    %dma_start3A_32 = arith.constant 0 : i32
    %dma_start3A_33 = tpu.memref_slice %arg2[%dma_start3A_31, %dma_start3A_32] : memref<10000x128xf32, #tpu.memory_space<hbm>> -> memref<10000x128xf32, #tpu.memory_space<hbm>>
    tpu.enqueue_indirect_dma source(%dma_start3A_33 : memref<10000x128xf32, #tpu.memory_space<hbm>>) target(%arg9 : memref<125x128xf32, #tpu.memory_space<vmem>>) offsets(%dma_start3A_30 : memref<125xi32, #tpu.memory_space<vmem>>) semaphore(%arg11 : memref<!tpu.dma_semaphore, #tpu.memory_space<semaphore_mem>>)
    %dma_start3A_34 = arith.constant 1 : i32
    %dma_start3A_35 = arith.constant 0 : i32
    %dma_start3A_36 = tpu.memref_slice %arg7[%dma_start3A_34, %dma_start3A_35] : memref<40x125xi32, #tpu.memory_space<vmem>> -> memref<1x125xi32, #tpu.memory_space<vmem>>
    %dma_start3A_37 = tpu.memref_squeeze %dma_start3A_36 : memref<1x125xi32, #tpu.memory_space<vmem>> -> memref<125xi32, #tpu.memory_space<vmem>>
    %dma_start3A_38 = arith.constant 0 : i32
    %dma_start3A_39 = arith.constant 0 : i32
    %dma_start3A_40 = tpu.memref_slice %arg2[%dma_start3A_38, %dma_start3A_39] : memref<10000x128xf32, #tpu.memory_space<hbm>> -> memref<10000x128xf32, #tpu.memory_space<hbm>>
    tpu.enqueue_indirect_dma source(%dma_start3A_40 : memref<10000x128xf32, #tpu.memory_space<hbm>>) target(%arg10 : memref<125x128xf32, #tpu.memory_space<vmem>>) offsets(%dma_start3A_37 : memref<125xi32, #tpu.memory_space<vmem>>) semaphore(%arg12 : memref<!tpu.dma_semaphore, #tpu.memory_space<semaphore_mem>>)
    %scan3A_41 = arith.constant 0 : i32
    %scan3A_42 = arith.constant 20 : i32
    %scan3A_43 = arith.addi %scan3A_41, %scan3A_42 : i32
    %scan3A_44 = arith.constant 1 : i32
    scf.for %scan3A_56 = %scan3A_41 to %scan3A_43 step %scan3A_44  : i32 {
      %mul3A_57 = arith.constant 2 : i32
      %mul3A_58 = arith.muli %scan3A_56, %mul3A_57 : i32
      %add3A_59 = arith.constant 0 : i32
      %add3A_60 = arith.addi %add3A_59, %mul3A_58 : i32
      %add3A_61 = arith.constant 0 : i32
      %add3A_62 = arith.addi %add3A_60, %add3A_61 : i32
      %dma_wait3A = arith.constant 0 : i32
      %dma_wait3A_63 = tpu.memref_slice %arg7[%add3A_62, %dma_wait3A] : memref<40x125xi32, #tpu.memory_space<vmem>> -> memref<1x125xi32, #tpu.memory_space<vmem>>
      %dma_wait3A_64 = tpu.memref_squeeze %dma_wait3A_63 : memref<1x125xi32, #tpu.memory_space<vmem>> -> memref<125xi32, #tpu.memory_space<vmem>>
      %dma_wait3A_65 = arith.constant 0 : i32
      %dma_wait3A_66 = arith.constant 0 : i32
      %dma_wait3A_67 = tpu.memref_slice %arg2[%dma_wait3A_65, %dma_wait3A_66] : memref<10000x128xf32, #tpu.memory_space<hbm>> -> memref<10000x128xf32, #tpu.memory_space<hbm>>
      tpu.wait_indirect_dma semaphore(%arg11 : memref<!tpu.dma_semaphore, #tpu.memory_space<semaphore_mem>>) src(%dma_wait3A_67 : memref<10000x128xf32, #tpu.memory_space<hbm>>) dst(%arg9 : memref<125x128xf32, #tpu.memory_space<vmem>>)
      "tpu.region"() ({
        %run_scoped3A_89 = tpu.sem_alloc : memref<!tpu.dma_semaphore, #tpu.memory_space<semaphore_mem>>
        %dma_start3A_90 = arith.constant 0 : i32
        %dma_start3A_91 = tpu.memref_slice %arg8[%add3A_62, %dma_start3A_90] : memref<40x125xi32, #tpu.memory_space<vmem>> -> memref<1x125xi32, #tpu.memory_space<vmem>>
        %dma_start3A_92 = tpu.memref_squeeze %dma_start3A_91 : memref<1x125xi32, #tpu.memory_space<vmem>> -> memref<125xi32, #tpu.memory_space<vmem>>
        %dma_start3A_93 = arith.constant 0 : i32
        %dma_start3A_94 = arith.constant 0 : i32
        %dma_start3A_95 = tpu.memref_slice %arg15[%dma_start3A_93, %dma_start3A_94] : memref<10000x128xf32, #tpu.memory_space<vmem_shared>> -> memref<10000x128xf32, #tpu.memory_space<vmem_shared>>
        tpu.enqueue_indirect_dma source(%arg9 : memref<125x128xf32, #tpu.memory_space<vmem>>) target(%dma_start3A_95 : memref<10000x128xf32, #tpu.memory_space<vmem_shared>>) offsets(%dma_start3A_92 : memref<125xi32, #tpu.memory_space<vmem>>) semaphore(%run_scoped3A_89 : memref<!tpu.dma_semaphore, #tpu.memory_space<semaphore_mem>>) {add = true}
        %dma_wait3A_96 = arith.constant 0 : i32
        %dma_wait3A_97 = tpu.memref_slice %arg8[%add3A_62, %dma_wait3A_96] : memref<40x125xi32, #tpu.memory_space<vmem>> -> memref<1x125xi32, #tpu.memory_space<vmem>>
        %dma_wait3A_98 = tpu.memref_squeeze %dma_wait3A_97 : memref<1x125xi32, #tpu.memory_space<vmem>> -> memref<125xi32, #tpu.memory_space<vmem>>
        %dma_wait3A_99 = arith.constant 0 : i32
        %dma_wait3A_100 = arith.constant 0 : i32
        %dma_wait3A_101 = tpu.memref_slice %arg15[%dma_wait3A_99, %dma_wait3A_100] : memref<10000x128xf32, #tpu.memory_space<vmem_shared>> -> memref<10000x128xf32, #tpu.memory_space<vmem_shared>>
        tpu.wait_indirect_dma semaphore(%run_scoped3A_89 : memref<!tpu.dma_semaphore, #tpu.memory_space<semaphore_mem>>) src(%arg9 : memref<125x128xf32, #tpu.memory_space<vmem>>) dst(%dma_wait3A_101 : memref<10000x128xf32, #tpu.memory_space<vmem_shared>>)
        tpu.yield
      }) : () -> ()
      %add3A_68 = arith.constant 2 : i32
      %add3A_69 = arith.addi %add3A_62, %add3A_68 : i32
      %lt3A = arith.constant 40 : i32
      %lt3A_70 = arith.cmpi slt, %add3A_69, %lt3A : i32
      %convert_element_type3A_71 = arith.extui %lt3A_70 : i1 to i32
      %cond3A_72 = arith.constant 0 : i32
      %cond3A_73 = arith.cmpi ne, %convert_element_type3A_71, %cond3A_72 : i32
      scf.if %cond3A_73 {
        %add3A_89 = arith.constant 2 : i32
        %add3A_90 = arith.addi %add3A_62, %add3A_89 : i32
        %dma_start3A_91 = arith.constant 0 : i32
        %dma_start3A_92 = tpu.memref_slice %arg7[%add3A_90, %dma_start3A_91] : memref<40x125xi32, #tpu.memory_space<vmem>> -> memref<1x125xi32, #tpu.memory_space<vmem>>
        %dma_start3A_93 = tpu.memref_squeeze %dma_start3A_92 : memref<1x125xi32, #tpu.memory_space<vmem>> -> memref<125xi32, #tpu.memory_space<vmem>>
        %dma_start3A_94 = arith.constant 0 : i32
        %dma_start3A_95 = arith.constant 0 : i32
        %dma_start3A_96 = tpu.memref_slice %arg2[%dma_start3A_94, %dma_start3A_95] : memref<10000x128xf32, #tpu.memory_space<hbm>> -> memref<10000x128xf32, #tpu.memory_space<hbm>>
        tpu.enqueue_indirect_dma source(%dma_start3A_96 : memref<10000x128xf32, #tpu.memory_space<hbm>>) target(%arg9 : memref<125x128xf32, #tpu.memory_space<vmem>>) offsets(%dma_start3A_93 : memref<125xi32, #tpu.memory_space<vmem>>) semaphore(%arg11 : memref<!tpu.dma_semaphore, #tpu.memory_space<semaphore_mem>>)
      } else {
      }
      %add3A_74 = arith.constant 1 : i32
      %add3A_75 = arith.addi %add3A_60, %add3A_74 : i32
      %dma_wait3A_76 = arith.constant 0 : i32
      %dma_wait3A_77 = tpu.memref_slice %arg7[%add3A_75, %dma_wait3A_76] : memref<40x125xi32, #tpu.memory_space<vmem>> -> memref<1x125xi32, #tpu.memory_space<vmem>>
      %dma_wait3A_78 = tpu.memref_squeeze %dma_wait3A_77 : memref<1x125xi32, #tpu.memory_space<vmem>> -> memref<125xi32, #tpu.memory_space<vmem>>
      %dma_wait3A_79 = arith.constant 0 : i32
      %dma_wait3A_80 = arith.constant 0 : i32
      %dma_wait3A_81 = tpu.memref_slice %arg2[%dma_wait3A_79, %dma_wait3A_80] : memref<10000x128xf32, #tpu.memory_space<hbm>> -> memref<10000x128xf32, #tpu.memory_space<hbm>>
      tpu.wait_indirect_dma semaphore(%arg12 : memref<!tpu.dma_semaphore, #tpu.memory_space<semaphore_mem>>) src(%dma_wait3A_81 : memref<10000x128xf32, #tpu.memory_space<hbm>>) dst(%arg10 : memref<125x128xf32, #tpu.memory_space<vmem>>)
      "tpu.region"() ({
        %run_scoped3A_89 = tpu.sem_alloc : memref<!tpu.dma_semaphore, #tpu.memory_space<semaphore_mem>>
        %dma_start3A_90 = arith.constant 0 : i32
        %dma_start3A_91 = tpu.memref_slice %arg8[%add3A_75, %dma_start3A_90] : memref<40x125xi32, #tpu.memory_space<vmem>> -> memref<1x125xi32, #tpu.memory_space<vmem>>
        %dma_start3A_92 = tpu.memref_squeeze %dma_start3A_91 : memref<1x125xi32, #tpu.memory_space<vmem>> -> memref<125xi32, #tpu.memory_space<vmem>>
        %dma_start3A_93 = arith.constant 0 : i32
        %dma_start3A_94 = arith.constant 0 : i32
        %dma_start3A_95 = tpu.memref_slice %arg15[%dma_start3A_93, %dma_start3A_94] : memref<10000x128xf32, #tpu.memory_space<vmem_shared>> -> memref<10000x128xf32, #tpu.memory_space<vmem_shared>>
        tpu.enqueue_indirect_dma source(%arg10 : memref<125x128xf32, #tpu.memory_space<vmem>>) target(%dma_start3A_95 : memref<10000x128xf32, #tpu.memory_space<vmem_shared>>) offsets(%dma_start3A_92 : memref<125xi32, #tpu.memory_space<vmem>>) semaphore(%run_scoped3A_89 : memref<!tpu.dma_semaphore, #tpu.memory_space<semaphore_mem>>) {add = true}
        %dma_wait3A_96 = arith.constant 0 : i32
        %dma_wait3A_97 = tpu.memref_slice %arg8[%add3A_75, %dma_wait3A_96] : memref<40x125xi32, #tpu.memory_space<vmem>> -> memref<1x125xi32, #tpu.memory_space<vmem>>
        %dma_wait3A_98 = tpu.memref_squeeze %dma_wait3A_97 : memref<1x125xi32, #tpu.memory_space<vmem>> -> memref<125xi32, #tpu.memory_space<vmem>>
        %dma_wait3A_99 = arith.constant 0 : i32
        %dma_wait3A_100 = arith.constant 0 : i32
        %dma_wait3A_101 = tpu.memref_slice %arg15[%dma_wait3A_99, %dma_wait3A_100] : memref<10000x128xf32, #tpu.memory_space<vmem_shared>> -> memref<10000x128xf32, #tpu.memory_space<vmem_shared>>
        tpu.wait_indirect_dma semaphore(%run_scoped3A_89 : memref<!tpu.dma_semaphore, #tpu.memory_space<semaphore_mem>>) src(%arg10 : memref<125x128xf32, #tpu.memory_space<vmem>>) dst(%dma_wait3A_101 : memref<10000x128xf32, #tpu.memory_space<vmem_shared>>)
        tpu.yield
      }) : () -> ()
      %add3A_82 = arith.constant 2 : i32
      %add3A_83 = arith.addi %add3A_75, %add3A_82 : i32
      %lt3A_84 = arith.constant 40 : i32
      %lt3A_85 = arith.cmpi slt, %add3A_83, %lt3A_84 : i32
      %convert_element_type3A_86 = arith.extui %lt3A_85 : i1 to i32
      %cond3A_87 = arith.constant 0 : i32
      %cond3A_88 = arith.cmpi ne, %convert_element_type3A_86, %cond3A_87 : i32
      scf.if %cond3A_88 {
        %add3A_89 = arith.constant 2 : i32
        %add3A_90 = arith.addi %add3A_75, %add3A_89 : i32
        %dma_start3A_91 = arith.constant 0 : i32
        %dma_start3A_92 = tpu.memref_slice %arg7[%add3A_90, %dma_start3A_91] : memref<40x125xi32, #tpu.memory_space<vmem>> -> memref<1x125xi32, #tpu.memory_space<vmem>>
        %dma_start3A_93 = tpu.memref_squeeze %dma_start3A_92 : memref<1x125xi32, #tpu.memory_space<vmem>> -> memref<125xi32, #tpu.memory_space<vmem>>
        %dma_start3A_94 = arith.constant 0 : i32
        %dma_start3A_95 = arith.constant 0 : i32
        %dma_start3A_96 = tpu.memref_slice %arg2[%dma_start3A_94, %dma_start3A_95] : memref<10000x128xf32, #tpu.memory_space<hbm>> -> memref<10000x128xf32, #tpu.memory_space<hbm>>
        tpu.enqueue_indirect_dma source(%dma_start3A_96 : memref<10000x128xf32, #tpu.memory_space<hbm>>) target(%arg10 : memref<125x128xf32, #tpu.memory_space<vmem>>) offsets(%dma_start3A_93 : memref<125xi32, #tpu.memory_space<vmem>>) semaphore(%arg12 : memref<!tpu.dma_semaphore, #tpu.memory_space<semaphore_mem>>)
      } else {
      }
    }
    %scan3A_45 = arith.constant 20 : i32
    %barrier3A_46 = arith.constant 0 : index
    tpu.barrier barrier_id(%barrier3A_46)
    %mul3A_47 = arith.constant 624 : i32
    %mul3A_48 = arith.muli %arg1, %mul3A_47 : i32
    %mul3A_49 = arith.constant 624 : i32
    %mul3A_50 = arith.muli %arg1, %mul3A_49 : i32
    "tpu.region"() ({
      %run_scoped3A_56 = tpu.sem_alloc : memref<!tpu.dma_semaphore, #tpu.memory_space<semaphore_mem>>
      %dma_start3A_57 = arith.constant 0 : i32
      %dma_start3A_58 = tpu.memref_slice %arg6[%arg0, %mul3A_50, %dma_start3A_57] : memref<2x10000x128xf32, #tpu.memory_space<hbm>> -> memref<1x624x128xf32, #tpu.memory_space<hbm>>
      %dma_start3A_59 = tpu.memref_squeeze %dma_start3A_58 : memref<1x624x128xf32, #tpu.memory_space<hbm>> -> memref<624x128xf32, #tpu.memory_space<hbm>>
      %dma_start3A_60 = arith.constant 0 : i32
      %dma_start3A_61 = tpu.memref_slice %arg15[%mul3A_48, %dma_start3A_60] : memref<10000x128xf32, #tpu.memory_space<vmem_shared>> -> memref<624x128xf32, #tpu.memory_space<vmem_shared>>
      tpu.enqueue_dma source(%dma_start3A_61 : memref<624x128xf32, #tpu.memory_space<vmem_shared>>) target(%dma_start3A_59 : memref<624x128xf32, #tpu.memory_space<hbm>>) target_semaphore(%run_scoped3A_56 : memref<!tpu.dma_semaphore, #tpu.memory_space<semaphore_mem>>)
      %dma_wait3A = arith.constant 0 : i32
      %dma_wait3A_62 = tpu.memref_slice %arg6[%arg0, %mul3A_50, %dma_wait3A] : memref<2x10000x128xf32, #tpu.memory_space<hbm>> -> memref<1x624x128xf32, #tpu.memory_space<hbm>>
      %dma_wait3A_63 = tpu.memref_squeeze %dma_wait3A_62 : memref<1x624x128xf32, #tpu.memory_space<hbm>> -> memref<624x128xf32, #tpu.memory_space<hbm>>
      %dma_wait3A_64 = arith.constant 0 : i32
      %dma_wait3A_65 = tpu.memref_slice %arg15[%mul3A_48, %dma_wait3A_64] : memref<10000x128xf32, #tpu.memory_space<vmem_shared>> -> memref<624x128xf32, #tpu.memory_space<vmem_shared>>
      tpu.wait_dma2 semaphore(%run_scoped3A_56 : memref<!tpu.dma_semaphore, #tpu.memory_space<semaphore_mem>>) src(%dma_wait3A_65 : memref<624x128xf32, #tpu.memory_space<vmem_shared>>) dst(%dma_wait3A_63 : memref<624x128xf32, #tpu.memory_space<hbm>>)
      tpu.yield
    }) : () -> ()
    %eq3A_51 = arith.constant 15 : i32
    %eq3A_52 = arith.cmpi eq, %arg1, %eq3A_51 : i32
    %convert_element_type3A_53 = arith.extui %eq3A_52 : i1 to i32
    %cond3A_54 = arith.constant 0 : i32
    %cond3A_55 = arith.cmpi ne, %convert_element_type3A_53, %cond3A_54 : i32
    scf.if %cond3A_55 {
      "tpu.region"() ({
        %run_scoped3A_56 = tpu.sem_alloc : memref<!tpu.dma_semaphore, #tpu.memory_space<semaphore_mem>>
        %dma_start3A_57 = arith.constant 9984 : i32
        %dma_start3A_58 = arith.constant 0 : i32
        %dma_start3A_59 = tpu.memref_slice %arg6[%arg0, %dma_start3A_57, %dma_start3A_58] : memref<2x10000x128xf32, #tpu.memory_space<hbm>> -> memref<1x16x128xf32, #tpu.memory_space<hbm>>
        %dma_start3A_60 = tpu.memref_squeeze %dma_start3A_59 : memref<1x16x128xf32, #tpu.memory_space<hbm>> -> memref<16x128xf32, #tpu.memory_space<hbm>>
        %dma_start3A_61 = arith.constant 9984 : i32
        %dma_start3A_62 = arith.constant 0 : i32
        %dma_start3A_63 = tpu.memref_slice %arg15[%dma_start3A_61, %dma_start3A_62] : memref<10000x128xf32, #tpu.memory_space<vmem_shared>> -> memref<16x128xf32, #tpu.memory_space<vmem_shared>>
        tpu.enqueue_dma source(%dma_start3A_63 : memref<16x128xf32, #tpu.memory_space<vmem_shared>>) target(%dma_start3A_60 : memref<16x128xf32, #tpu.memory_space<hbm>>) target_semaphore(%run_scoped3A_56 : memref<!tpu.dma_semaphore, #tpu.memory_space<semaphore_mem>>)
        %dma_wait3A = arith.constant 9984 : i32
        %dma_wait3A_64 = arith.constant 0 : i32
        %dma_wait3A_65 = tpu.memref_slice %arg6[%arg0, %dma_wait3A, %dma_wait3A_64] : memref<2x10000x128xf32, #tpu.memory_space<hbm>> -> memref<1x16x128xf32, #tpu.memory_space<hbm>>
        %dma_wait3A_66 = tpu.memref_squeeze %dma_wait3A_65 : memref<1x16x128xf32, #tpu.memory_space<hbm>> -> memref<16x128xf32, #tpu.memory_space<hbm>>
        %dma_wait3A_67 = arith.constant 9984 : i32
        %dma_wait3A_68 = arith.constant 0 : i32
        %dma_wait3A_69 = tpu.memref_slice %arg15[%dma_wait3A_67, %dma_wait3A_68] : memref<10000x128xf32, #tpu.memory_space<vmem_shared>> -> memref<16x128xf32, #tpu.memory_space<vmem_shared>>
        tpu.wait_dma2 semaphore(%run_scoped3A_56 : memref<!tpu.dma_semaphore, #tpu.memory_space<semaphore_mem>>) src(%dma_wait3A_69 : memref<16x128xf32, #tpu.memory_space<vmem_shared>>) dst(%dma_wait3A_66 : memref<16x128xf32, #tpu.memory_space<hbm>>)
        tpu.yield
      }) : () -> ()
    } else {
    }
    return
  }
}

module attributes {stable_mosaic.version = 14 : i64} {
  func.func @_lin1_body(%arg0: i32, %arg1: memref<2000x128xf32, #tpu.memory_space<vmem>>, %arg2: memref<128x128xf32, #tpu.memory_space<vmem>>, %arg3: memref<1x128xf32, #tpu.memory_space<vmem>>, %arg4: memref<2000x128xf32, #tpu.memory_space<vmem>>) attributes {dimension_semantics = [#tpu.dimension_semantics<arbitrary>], iteration_bounds = array<i64: 5>, scalar_prefetch = 0 : i64, scratch_operands = 0 : i64, tpu.core_type = #tpu.core_type<tc>, window_params = [{transform_indices = @transform_0, window_bounds = array<i64: 2000, 128>}, {pipeline_mode = #tpu.pipeline_mode<synchronous>, transform_indices = @transform_1, window_bounds = array<i64: 128, 128>}, {pipeline_mode = #tpu.pipeline_mode<synchronous>, transform_indices = @transform_2, window_bounds = array<i64: 1, 128>}, {transform_indices = @transform_3, window_bounds = array<i64: 2000, 128>}]} {
    %get3A = arith.constant 0 : index
    %get3A_0 = arith.constant 0 : index
    %get3A_1 = vector.load %arg1[%get3A, %get3A_0] : memref<2000x128xf32, #tpu.memory_space<vmem>>, vector<2000x128xf32>
    %get3A_2 = arith.constant 0 : index
    %get3A_3 = arith.constant 0 : index
    %get3A_4 = vector.load %arg2[%get3A_2, %get3A_3] : memref<128x128xf32, #tpu.memory_space<vmem>>, vector<128x128xf32>
    %dot_general3A = arith.constant dense<0.000000e+00> : vector<2000x128xf32>
    %dot_general3A_5 = tpu.matmul %get3A_1, %get3A_4, %dot_general3A {dimension_numbers = #tpu.dot_dimension_numbers<[1], [0], [0], [1], [0, 0, 1, 1], [], []>, transpose_lhs_hint = false} : vector<2000x128xf32>, vector<128x128xf32>, vector<2000x128xf32> -> vector<2000x128xf32>
    %get3A_6 = arith.constant 0 : index
    %get3A_7 = arith.constant 0 : index
    %get3A_8 = vector.load %arg3[%get3A_6, %get3A_7] : memref<1x128xf32, #tpu.memory_space<vmem>>, vector<1x128xf32>
    %add3A = vector.broadcast %get3A_8 : vector<1x128xf32> to vector<2000x128xf32>
    %add3A_9 = arith.addf %dot_general3A_5, %add3A : vector<2000x128xf32>
    %swap3A = arith.constant 0 : index
    %swap3A_10 = arith.constant 0 : index
    %swap3A_11 = vector.load %arg4[%swap3A, %swap3A_10] : memref<2000x128xf32, #tpu.memory_space<vmem>>, vector<2000x128xf32>
    tpu.vector_store %arg4[%swap3A, %swap3A_10], %add3A_9 {strides = array<i32>} : memref<2000x128xf32, #tpu.memory_space<vmem>>, vector<2000x128xf32>,
    return
  }
  func.func @transform_0(%arg0: i32) -> (i32, i32) {
    %c0_i32 = arith.constant 0 : i32
    %c0_i32_0 = arith.constant 0 : i32
    return %arg0, %c0_i32 : i32, i32
  }
  func.func @transform_1(%arg0: i32) -> (i32, i32) {
    %c0_i32 = arith.constant 0 : i32
    %c0_i32_0 = arith.constant 0 : i32
    %c0_i32_1 = arith.constant 0 : i32
    return %c0_i32, %c0_i32_0 : i32, i32
  }
  func.func @transform_2(%arg0: i32) -> (i32, i32) {
    %c0_i32 = arith.constant 0 : i32
    %c0_i32_0 = arith.constant 0 : i32
    %c0_i32_1 = arith.constant 0 : i32
    return %c0_i32, %c0_i32_0 : i32, i32
  }
  func.func @transform_3(%arg0: i32) -> (i32, i32) {
    %c0_i32 = arith.constant 0 : i32
    %c0_i32_0 = arith.constant 0 : i32
    return %arg0, %c0_i32 : i32, i32
  }
}

module attributes {stable_mosaic.version = 14 : i64} {
  func.func @_lin2_body(%arg0: i32, %arg1: memref<2x2000x128xf32, #tpu.memory_space<vmem>>, %arg2: memref<128x128xf32, #tpu.memory_space<vmem>>, %arg3: memref<1x128xf32, #tpu.memory_space<vmem>>, %arg4: memref<2000x128xf32, #tpu.memory_space<vmem>>) attributes {dimension_semantics = [#tpu.dimension_semantics<arbitrary>], iteration_bounds = array<i64: 5>, scalar_prefetch = 0 : i64, scratch_operands = 0 : i64, tpu.core_type = #tpu.core_type<tc>, window_params = [{transform_indices = @transform_0, window_bounds = array<i64: 2, 2000, 128>}, {pipeline_mode = #tpu.pipeline_mode<synchronous>, transform_indices = @transform_1, window_bounds = array<i64: 128, 128>}, {pipeline_mode = #tpu.pipeline_mode<synchronous>, transform_indices = @transform_2, window_bounds = array<i64: 1, 128>}, {transform_indices = @transform_3, window_bounds = array<i64: 2000, 128>}]} {
    %get3A = arith.constant 0 : index
    %get3A_0 = arith.constant 0 : index
    %get3A_1 = arith.constant 0 : index
    %get3A_2 = vector.load %arg1[%get3A, %get3A_0, %get3A_1] : memref<2x2000x128xf32, #tpu.memory_space<vmem>>, vector<1x2000x128xf32>
    %get3A_3 = vector.shape_cast %get3A_2 : vector<1x2000x128xf32> to vector<2000x128xf32>
    %get3A_4 = arith.constant 1 : index
    %get3A_5 = arith.constant 0 : index
    %get3A_6 = arith.constant 0 : index
    %get3A_7 = vector.load %arg1[%get3A_4, %get3A_5, %get3A_6] : memref<2x2000x128xf32, #tpu.memory_space<vmem>>, vector<1x2000x128xf32>
    %get3A_8 = vector.shape_cast %get3A_7 : vector<1x2000x128xf32> to vector<2000x128xf32>
    %add3A = arith.addf %get3A_3, %get3A_8 : vector<2000x128xf32>
    %max3A = arith.constant 0.000000e+00 : f32
    %max3A_9 = vector.broadcast %max3A : f32 to vector<2000x128xf32>
    %max3A_10 = arith.maximumf %add3A, %max3A_9 : vector<2000x128xf32>
    %get3A_11 = arith.constant 0 : index
    %get3A_12 = arith.constant 0 : index
    %get3A_13 = vector.load %arg2[%get3A_11, %get3A_12] : memref<128x128xf32, #tpu.memory_space<vmem>>, vector<128x128xf32>
    %dot_general3A = arith.constant dense<0.000000e+00> : vector<2000x128xf32>
    %dot_general3A_14 = tpu.matmul %max3A_10, %get3A_13, %dot_general3A {dimension_numbers = #tpu.dot_dimension_numbers<[1], [0], [0], [1], [0, 0, 1, 1], [], []>, transpose_lhs_hint = false} : vector<2000x128xf32>, vector<128x128xf32>, vector<2000x128xf32> -> vector<2000x128xf32>
    %get3A_15 = arith.constant 0 : index
    %get3A_16 = arith.constant 0 : index
    %get3A_17 = vector.load %arg3[%get3A_15, %get3A_16] : memref<1x128xf32, #tpu.memory_space<vmem>>, vector<1x128xf32>
    %add3A_18 = vector.broadcast %get3A_17 : vector<1x128xf32> to vector<2000x128xf32>
    %add3A_19 = arith.addf %dot_general3A_14, %add3A_18 : vector<2000x128xf32>
    %swap3A = arith.constant 0 : index
    %swap3A_20 = arith.constant 0 : index
    %swap3A_21 = vector.load %arg4[%swap3A, %swap3A_20] : memref<2000x128xf32, #tpu.memory_space<vmem>>, vector<2000x128xf32>
    tpu.vector_store %arg4[%swap3A, %swap3A_20], %add3A_19 {strides = array<i32>} : memref<2000x128xf32, #tpu.memory_space<vmem>>, vector<2000x128xf32>,
    return
  }
  func.func @transform_0(%arg0: i32) -> (i32, i32, i32) {
    %c0_i32 = arith.constant 0 : i32
    %c0_i32_0 = arith.constant 0 : i32
    %c0_i32_1 = arith.constant 0 : i32
    return %c0_i32, %arg0, %c0_i32_0 : i32, i32, i32
  }
  func.func @transform_1(%arg0: i32) -> (i32, i32) {
    %c0_i32 = arith.constant 0 : i32
    %c0_i32_0 = arith.constant 0 : i32
    %c0_i32_1 = arith.constant 0 : i32
    return %c0_i32, %c0_i32_0 : i32, i32
  }
  func.func @transform_2(%arg0: i32) -> (i32, i32) {
    %c0_i32 = arith.constant 0 : i32
    %c0_i32_0 = arith.constant 0 : i32
    %c0_i32_1 = arith.constant 0 : i32
    return %c0_i32, %c0_i32_0 : i32, i32
  }
  func.func @transform_3(%arg0: i32) -> (i32, i32) {
    %c0_i32 = arith.constant 0 : i32
    %c0_i32_0 = arith.constant 0 : i32
    return %arg0, %c0_i32 : i32, i32
  }
}

module attributes {stable_mosaic.version = 14 : i64} {
  func.func @_lsm_body(%arg0: i32, %arg1: memref<2x2000x128xf32, #tpu.memory_space<vmem>>, %arg2: memref<2000x128xf32, #tpu.memory_space<vmem>>) attributes {dimension_semantics = [#tpu.dimension_semantics<arbitrary>], iteration_bounds = array<i64: 5>, scalar_prefetch = 0 : i64, scratch_operands = 0 : i64, tpu.core_type = #tpu.core_type<tc>, window_params = [{transform_indices = @transform_0, window_bounds = array<i64: 2, 2000, 128>}, {transform_indices = @transform_1, window_bounds = array<i64: 2000, 128>}]} {
    %get3A = arith.constant 0 : index
    %get3A_0 = arith.constant 0 : index
    %get3A_1 = arith.constant 0 : index
    %get3A_2 = vector.load %arg1[%get3A, %get3A_0, %get3A_1] : memref<2x2000x128xf32, #tpu.memory_space<vmem>>, vector<1x2000x128xf32>
    %get3A_3 = vector.shape_cast %get3A_2 : vector<1x2000x128xf32> to vector<2000x128xf32>
    %get3A_4 = arith.constant 1 : index
    %get3A_5 = arith.constant 0 : index
    %get3A_6 = arith.constant 0 : index
    %get3A_7 = vector.load %arg1[%get3A_4, %get3A_5, %get3A_6] : memref<2x2000x128xf32, #tpu.memory_space<vmem>>, vector<1x2000x128xf32>
    %get3A_8 = vector.shape_cast %get3A_7 : vector<1x2000x128xf32> to vector<2000x128xf32>
    %add3A = arith.addf %get3A_3, %get3A_8 : vector<2000x128xf32>
    %reduce_max3A = arith.constant dense<0xFF800000> : vector<2000xf32>
    %reduce_max3A_9 = vector.multi_reduction <maximumf>, %add3A, %reduce_max3A [1] : vector<2000x128xf32> to vector<2000xf32>
    %broadcast_in_dim3A = vector.shape_cast %reduce_max3A_9 : vector<2000xf32> to vector<2000x1xf32>
    %sub3A = vector.broadcast %broadcast_in_dim3A : vector<2000x1xf32> to vector<2000x128xf32>
    %sub3A_10 = arith.subf %add3A, %sub3A : vector<2000x128xf32>
    %exp3A = math.exp %sub3A_10 : vector<2000x128xf32>
    %reduce_sum3A = arith.constant dense<0.000000e+00> : vector<2000xf32>
    %reduce_sum3A_11 = vector.multi_reduction <add>, %exp3A, %reduce_sum3A [1] : vector<2000x128xf32> to vector<2000xf32>
    %broadcast_in_dim3A_12 = vector.shape_cast %reduce_sum3A_11 : vector<2000xf32> to vector<2000x1xf32>
    %sub3A_13 = vector.broadcast %broadcast_in_dim3A : vector<2000x1xf32> to vector<2000x128xf32>
    %sub3A_14 = arith.subf %add3A, %sub3A_13 : vector<2000x128xf32>
    %log3A = math.log %broadcast_in_dim3A_12 : vector<2000x1xf32>
    %sub3A_15 = vector.broadcast %log3A : vector<2000x1xf32> to vector<2000x128xf32>
    %sub3A_16 = arith.subf %sub3A_14, %sub3A_15 : vector<2000x128xf32>
    %swap3A = arith.constant 0 : index
    %swap3A_17 = arith.constant 0 : index
    %swap3A_18 = vector.load %arg2[%swap3A, %swap3A_17] : memref<2000x128xf32, #tpu.memory_space<vmem>>, vector<2000x128xf32>
    tpu.vector_store %arg2[%swap3A, %swap3A_17], %sub3A_16 {strides = array<i32>} : memref<2000x128xf32, #tpu.memory_space<vmem>>, vector<2000x128xf32>,
    return
  }
  func.func @transform_0(%arg0: i32) -> (i32, i32, i32) {
    %c0_i32 = arith.constant 0 : i32
    %c0_i32_0 = arith.constant 0 : i32
    %c0_i32_1 = arith.constant 0 : i32
    return %c0_i32, %arg0, %c0_i32_0 : i32, i32, i32
  }
  func.func @transform_1(%arg0: i32) -> (i32, i32) {
    %c0_i32 = arith.constant 0 : i32
    %c0_i32_0 = arith.constant 0 : i32
    return %arg0, %c0_i32 : i32, i32
  }
}

</mosaic_0001>

<sc_bundles>
// kernel: kernel.10.cloned.1.call-start
scs
__scs_entry_jumppad:
0x0: {  	(pc) =	sbr.rel $0x88, $3  }
0x1: {  	(tag) =	ssettag $0x0;
	lr =	simm.s32 $0x1  }
0x2: {  	[smem:$0x3F9B] =	sst lr;
	_ =	strace $0xD0000000  }
0x3: {  	_ = 	snop  }
0x4: {  	_ = 	snop  }
0x5: {  	_ = 	snop  }
0x6: {  	_ = 	snop  }
0x7: {  	_ = 	snop  }
__scs_overlays_trampoline_lowered:
0x8: {  	[smem:$0x3FAA] =	sst s0  }
0x9: {  	[smem:$0x3FAB] =	sst s1  }
0xa: {  	[smem:$0x3FAC] =	sst s2  }
0xb: {  	[smem:$0x3FAD] =	sst s3  }
0xc: {  	[smem:$0x3FAE] =	sst s4  }
0xd: {  	[smem:$0x3FAF] =	sst s5  }
0xe: {  	[smem:$0x3FB0] =	sst s6  }
0xf: {  	[smem:$0x3FB1] =	sst s7  }
0x10: {  	[smem:$0x3FB2] =	sst s8  }
0x11: {  	[smem:$0x3FB3] =	sst s9;
	s0 =	simm.s32 @!p0 $0x0  }
0x12: {  	s1 =	sld [smem:$0x3F99];
	s0 =	simm.s32 @p0 $0x1  }
0x13: {  	[smem:$0x3FB4] =	sst s0;
	s0 =	simm.s32 @!p1 $0x0  }
0x14: {  	s2 =	sld [smem:$0x3F98];
	s0 =	simm.s32 @p1 $0x1  }
0x15: {  	[smem:$0x3FB5] =	sst s0;
	s0 =	simm.s32 @!p2 $0x0  }
0x16: {  	s3 =	sld [smem:$0x3FDB];
	s0 =	simm.s32 @p2 $0x1  }
0x17: {  	s4 =	simm.s32 $0x1BF5;
	[smem:$0x3FB7] =	sst s0  }
0x18: {  	s0 =	sld [smem:$0x3F9A];
	_ =	swait.ge [sflag:s4], $0x0  }
0x19: {  	s7 =	sld [smem:$0x3F9B]  }
0x1a: {  	s8 =	sadd.s32 $0xFFFFE003, lr  }
0x1b: {  	s9 =	sadd.s32 $0xFFFFFEF7, lr;
	s5 =	simm.s32 $0xFFFFFFFF;
	p2 =	slt.u32 s8, $0xFFFFF086  }
0x1c: {  	p1 =	slt.u32 s9, $0xF7A;
	s5 =	simm.s32 @!p2 $0x0  }
0x1d: {  	s5 =	simm.s32 @p1 $0x1;
	p0 =	seq.s32 s7, s2  }
0x1e: {  	s7 =	smul.u32 @!p0 $0xF7A, s2;
	p2 =	seq.s32 @!p0 s5, $0x0  }
0x1f: {  	s9 =	smul.u32 $0xF7A, s1;
	s8 =	simm.s32 @!p0 $0x1BF5;
	p2 =	por !p2, p0  }
0x20: {  	[sflag:s8] =	ssyncset.s32 @!p0 $0xFFFFF086;
	s6 =	sadd.s32 @!p0 s3, s7;
	s7 =	simm.s32 @!p0 $0x108  }
0x21: {  	s3 =	sadd.s32 s3, s9;
	s6 =	sadd.s32 @!p0 $0x88, s6;
	s7 =	simm.s32 @p2 $0x1082  }
0x22: {  	[simem:s7], [sflag:s8] =	dma.local @!p0 [hbm:s6], $0xF7A  }
0x23: {  	s9 =	sor.u32 $0xD0000000, s2;
	s6 =	simm.s32 $0x108;
	_ =	swait.ge @!p0 [sflag:s8], $0x0  }
0x24: {  	s3 =	sadd.s32 $0x88, s3;
	s6 =	simm.s32 @!p1 $0x1082;
	[sflag:s4] =	ssyncset.s32 $0xFFFFF086  }
0x25: {  	[simem:s6], [sflag:s4] =	dma.local [hbm:s3], $0xF7A  }
0x26: {  	[smem:$0x3F9B] =	sst s1;
	(tag) =	ssettag s2;
	_ =	strace s9  }
0x27: {  	s1 =	sld [smem:$0x3FAB]  }
0x28: {  	s2 =	sld [smem:$0x3FAC]  }
0x29: {  	s4 =	sld [smem:$0x3FAE]  }
0x2a: {  	p0 =	seq.s32 s5, $0x0;
	s5 =	sld [smem:$0x3FAF]  }
0x2b: {  	s6 =	sld [smem:$0x3FB0]  }
0x2c: {  	s7 =	sld [smem:$0x3FB1]  }
0x2d: {  	s3 =	simm.s32 $0x108;
	s8 =	sld [smem:$0x3FB2]  }
0x2e: {  	s3 =	simm.s32 @!p0 $0x1082;
	s9 =	sld [smem:$0x3FB3]  }
0x2f: {  	lr =	sadd.s32 s0, s3;
	s0 =	sld [smem:$0x3FAA]  }
0x30: {  	s3 =	sld [smem:$0x3FAD]  }
0x31: {  	[smem:$0x3FB6] =	sst s10  }
0x32: {  	s10 =	sld [smem:$0x3FB4];
	_ =	sdelay $0x3  }
0x33: {  	p0 =	seq.s32 s10, $0x1;
	s10 =	sld [smem:$0x3FB6];
	_ =	sdelay $0x3  }
0x34: {  	[smem:$0x3FB6] =	sst s10  }
0x35: {  	s10 =	sld [smem:$0x3FB5];
	_ =	sdelay $0x3  }
0x36: {  	p1 =	seq.s32 s10, $0x1;
	s10 =	sld [smem:$0x3FB6];
	_ =	sdelay $0x3  }
0x37: {  	[smem:$0x3FB6] =	sst s10  }
0x38: {  	s10 =	sld [smem:$0x3FB7]  }
0x39: {  	_ = 	snop;
	(pc) =	sbr.ind lr, $3  }
0x3a: {  	_ = 	snop  }
0x3b: {  	_ = 	snop  }
0x3c: {  	p2 =	seq.s32 s10, $0x1;
	s10 =	sld [smem:$0x3FB6]  }
0x3d: {  	_ =	shalt  }
0x3e: {  	_ =	shalt  }
0x3f: {  	_ =	shalt  }
0x40: {  	_ =	shalt  }
0x41: {  	_ =	shalt  }
0x42: {  	_ =	shalt  }
0x43: {  	_ =	shalt  }
0x44: {  	_ =	shalt  }
0x45: {  	_ =	shalt  }
0x46: {  	_ =	shalt  }
0x47: {  	_ =	shalt  }
0x48: {  	_ =	shalt  }
0x49: {  	_ =	shalt  }
0x4a: {  	_ =	shalt  }
0x4b: {  	_ =	shalt  }
0x4c: {  	_ =	shalt  }
0x4d: {  	_ =	shalt  }
0x4e: {  	_ =	shalt  }
0x4f: {  	_ =	shalt  }
0x50: {  	_ =	shalt  }
0x51: {  	_ =	shalt  }
0x52: {  	_ =	shalt  }
0x53: {  	_ =	shalt  }
0x54: {  	_ =	shalt  }
0x55: {  	_ =	shalt  }
0x56: {  	_ =	shalt  }
0x57: {  	_ =	shalt  }
0x58: {  	_ =	shalt  }
0x59: {  	_ =	shalt  }
0x5a: {  	_ =	shalt  }
0x5b: {  	_ =	shalt  }
0x5c: {  	_ =	shalt  }
0x5d: {  	_ =	shalt  }
0x5e: {  	_ =	shalt  }
0x5f: {  	_ =	shalt  }
0x60: {  	_ =	shalt  }
0x61: {  	_ =	shalt  }
0x62: {  	_ =	shalt  }
0x63: {  	_ =	shalt  }
0x64: {  	_ =	shalt  }
0x65: {  	_ =	shalt  }
0x66: {  	_ =	shalt  }
0x67: {  	_ =	shalt  }
0x68: {  	_ =	shalt  }
0x69: {  	_ =	shalt  }
0x6a: {  	_ =	shalt  }
0x6b: {  	_ =	shalt  }
0x6c: {  	_ =	shalt  }
0x6d: {  	_ =	shalt  }
0x6e: {  	_ =	shalt  }
0x6f: {  	_ =	shalt  }
0x70: {  	_ =	shalt  }
0x71: {  	_ =	shalt  }
0x72: {  	_ =	shalt  }
0x73: {  	_ =	shalt  }
0x74: {  	_ =	shalt  }
0x75: {  	_ =	shalt  }
0x76: {  	_ =	shalt  }
0x77: {  	_ =	shalt  }
0x78: {  	_ =	shalt  }
0x79: {  	_ =	shalt  }
0x7a: {  	_ =	shalt  }
0x7b: {  	_ =	shalt  }
0x7c: {  	_ =	shalt  }
0x7d: {  	_ =	shalt  }
0x7e: {  	_ =	shalt  }
0x7f: {  	_ =	shalt  }
0x80: {  	_ =	shalt  }
0x81: {  	_ =	shalt  }
0x82: {  	_ =	shalt  }
0x83: {  	_ =	shalt  }
0x84: {  	_ =	shalt  }
0x85: {  	_ =	shalt  }
0x86: {  	_ =	shalt  }
0x87: {  	_ =	shalt  }
.Lfunc_end0:
.L_simem_size_0:
called_computation.1_lowered:
.L_overlay_start_0:
0x88: {  	s2 =	sld [smem:$0x3FD9]  }
0x89: {  	s3 =	sld [smem:$0x3FFE];
	_ =	sdelay $0x1  }
0x8a: {  	s1 =	srdreg.scid  }
0x8b: {  	s0 =	sand.u32 $0x1, s1  }
0x8c: {  	s17 =	sshll.u32 s0, $0xA;
	s2 =	sadd.s32 s3, s2  }
0x8d: {  	s2 =	sadd.s32 s2, s17  }
0x8e: {  	[smem:$0x3FC2] =	sst s2  }
0x8f: {  	_ = 	snop  }
0x90: {  	s2 =	sld [smem:$0x3FD0];
	(tm) =	ssettm $0x1  }
0x91: {  	s18 =	sld [smem:$0x3FFB];
	_ =	sdelay $0x3  }
0x92: {  	_ =	strace s18  }
0x93: {  	s3 =	sld [smem:$0x3FFC];
	_ =	sdelay $0x3  }
0x94: {  	_ =	strace s3  }
0x95: {  	s3 =	sld [smem:$0x3FFD];
	_ =	sdelay $0x3  }
0x96: {  	_ =	strace s3  }
0x97: {  	_ =	strace $0x8FFFFFFF  }
0x98: {  	s19 =	sld [smem:$0x3FDB];
	_ =	sdelay $0x1  }
0x99: {  	s4 =	simm.s32 $_scs_section_size  }
0x9a: {  	s5 =	simm.s32 $_size__tile_overlayer_lowered;
	s6 =	simm.s32 $_tile_overlayer_lowered  }
0x9b: {  	s22 =	simm.s32 $0x1BFF;
	s21 =	sshll.u32 s6, $0x1;
	s3 =	sadd.s32 s4, s19  }
0x9c: {  	s7 =	simm.s32 $0x0;
	s20 =	sshll.u32 s5, $0x1;
	s5 =	sadd.s32 s21, s3  }
0x9d: {  	[timem:s7], [sflag:s22] =	dma.local [hbm:s5], s20  }
0x9e: {  	_ =	swait.ge [sflag:s22], s20  }
0x9f: {  	s4 =	ssub.s32 $0x0, s20;
	[sflag:s22] =	ssyncset.done $0x0  }
0xa0: {  	[sflag:s22] =	ssyncadd.s32 s4;
	_ =	sdelay $0x1  }
0xa1: {  	s23 =	simm.s32 $0x1B8B  }
0xa2: {  	_ =	swait.ge [sflag:s23], $0x1  }
0xa3: {  	[sflag:s23] =	ssyncset.done $0x0  }
0xa4: {  	s25 =	simm.s32 $0x1B8E;
	s24 =	sld [smem:$0x3FFE];
	[sflag:s23] =	ssyncadd.s32 $0xFFFFFFFF  }
0xa5: {  	s26 =	simm.s32 $execute0_lowered;
	[smem:$0x3FD2] =	sst s25  }
0xa6: {  	s5 =	sshll.u32 s26, $0x1;
	_ =	strace $0x80000049;
	[dreg:$0x1] =	wrdreg $0xFFFFFFFF  }
0xa7: {  	s28 =	simm.s32 $_size_execute0_lowered;
	s3 =	sadd.s32 s3, s5;
	[dreg:$0x0] =	wrdreg $0x0  }
0xa8: {  	s5 =	sshll.u32 s28, $0x1;
	[dreg:$0x2] =	wrdreg s3  }
0xa9: {  	[dreg:$0x3] =	wrdreg s5  }
0xaa: {  	[dreg:$0x4] =	wrdreg $0xC0  }
0xab: {  	_ =	task [dreg:s7], $0x5FFFF  }
0xac: {  	[dreg:$0x1] =	wrdreg $0xFFFFFFFF  }
0xad: {  	[dreg:$0x0] =	wrdreg $0x60  }
0xae: {  	[dreg:$0x2] =	wrdreg s2  }
0xaf: {  	[dreg:$0x3] =	wrdreg s24  }
0xb0: {  	[dreg:$0x4] =	wrdreg $0xA8000  }
0xb1: {  	[dreg:$0x5] =	wrdreg $0x9  }
0xb2: {  	_ =	task.clear_ibuf [dreg:s7], $0x6FFFF;
	_ =	strace $0x90000049  }
0xb3: {  	s29 =	simm.s32 $0x9;
	_ =	strace $0x8000004B  }
0xb4: {  	_ =	swait.ge [sflag:s29], $0x1  }
0xb5: {  	[sflag:s29] =	ssyncadd.s32 $0xFFFFFFFF  }
0xb6: {  	_ =	strace $0x9000004B  }
0xb7: {  	_ =	sfence  }
0xb8: {  	s30 =	sld [smem:$0x0];
	_ =	sdelay $0x2  }
0xb9: {  	s31 =	sshll.u32 s1, $0xD;
	s1 =	sshrl.u32 s1, $0x2  }
0xba: {  	s3 =	sand.u32 $0x4000, s31;
	s1 =	sadd.s32 s1, s30  }
0xbb: {  	s0 =	sor.u32 s3, s0;
	s1 =	sshll.u32 s1, $0x11  }
0xbc: {  	s0 =	sor.u32 s1, s0  }
0xbd: {  	s0 =	sadd.s32 $0x8F2B, s0  }
0xbe: {  	[sflag:s0] =	ssyncadd.remote.s32 $0x1  }
0xbf: {  	_ =	sfence.sel $0xFFFF  }
0xc0: {  	[dreg:$0x0] =	wrdreg $0xFFFFFFFF;
	(pc) =	sbr.abs _section_cstart, $3  }
0xc1: {  	[dreg:$0x1] =	wrdreg $0xFFFFFFFF  }
0xc2: {  	_ =	task.clear_ibuf [dreg:s7], $0x2FFFF;
	_ =	strace $0x9FFFFFFF  }
0xc3: {  	(tm) =	ssettm $0x7FFFFFFF  }
tec
execute0_lowered:
.L_overlay_start_1:
0x0: {  	(tag) =	ssettag $0x1  }
0x1: {  	s1 =	rddreg [dreg:$0x0]  }
0x2: {  	s0 =	rddreg [dreg:$0x1]  }
0x3: {  	s2 =	rddreg [dreg:$0x2];
	s4 =	simm.s32 $0x0;
	s5 =	srdreg.scid  }
0x4: {  	s3 =	stileid.u32;
	s18 =	simm.s32 $0x7D;
	s19 =	simm.s32 $0x2800  }
0x5: {  	s20 =	simm.s32 $0x80;
	s21 =	simm.s32 $0x6800;
	s22 =	simm.s32 $0x1  }
0x6: {  	s23 =	simm.s32 $0x2;
	s24 =	simm.s32 $0x2700;
	[smem:$0x7FF] =	sst s4  }
0x7: {  	s9 =	sand.u32 $0x1, s5;
	s12 =	smul.u32 $0x13800, s3;
	s13 =	sadd.s32 $0x1200, s0  }
0x8: {  	s11 =	sadd.s32 $0xB200, s0;
	s10 =	smul.u32 $0x4E000, s3;
	s14 =	sadd.s32 $0x3C400, s0  }
0x9: {  	p0 =	sne.s32 s3, $0xF;
	_ =	strace $0x8000004A;
	s5 =	sshll.u32 s9, $0x4  }
0xa: {  	s7 =	ssub.s32 $0x2, s9;
	s17 =	smul.u32 $0x138800, s9;
	s9 =	sadd.s32 $0x138000, s2  }
0xb: {  	s5 =	sor.u32 s3, s5;
	s6 =	sshrl.u32 s12, $0x3;
	s25 =	sshrl.u32 s7, $0x1  }
0xc: {  	s26 =	sshrl.u32 s10, $0x2;
	s10 =	sadd.s32 $0x3C200, s0;
	s5 =	smul.u32 $0x2800, s5  }
0xd: {  	s8 =	sadd.s32 s6, s0;
	s15 =	ssub.s32 s7, s25;
	s7 =	sadd.s32 s26, s2  }
0xe: {  	s29 =	sadd.s32 s12, s17;
	s17 =	sshrl.u32 s17, $0x3;
	s25 =	simm.s32 $0x2780  }
0xf: {  	s26 =	simm.s32 $0x0;
	s8 =	sadd.s32 $0x15200, s8;
	s30 =	sshrl.u32 s29, $0x3  }
0x10: {  	s31 =	sadd.s32 s14, s17;
	s15 =	smax.u32 s15, $0x1;
	s16 =	sshrl.u32 s5, $0x3  }
0x11: {  	s17 =	simm.s32 $0x1400;
	s5 =	sadd.s32 s11, s16;
	s28 =	sadd.s32 $0x280, s16  }
0x12: {  	s6 =	sadd.s32 s13, s16;
	s16 =	simm.s32 $0x3;
	s11 =	sadd.s32 s11, s28  }
0x13: {  	s12 =	sadd.s32 s13, s28;
	s13 =	sadd.s32 s14, s30;
	s14 =	sadd.s32 $0x27000, s31  }
.LBB2_1:
0x14: {  	[tilespmem:s4], [sflag:$0x3] =	stream.linear.gather [hbm4b:s5+s4], $0x1400, $0x38;
	[tilespmem:$0x1E080] =	vst v63  }
0x15: {  	_ =	swait.ge [sflag:s16], $0x1400  }
0x16: {  	[sflag:s16] =	ssyncset.done $0x0  }
0x17: {  	[sflag:s16] =	ssyncadd.s32 $0xFFFFEC00  }
0x18: {  	[tilespmem:s17], [sflag:$0x3] =	stream.linear.gather [hbm4b:s6+s4], $0x1400, $0x38;
	[tilespmem:$0x1E080] =	vst v63  }
0x19: {  	_ =	swait.ge [sflag:s16], $0x1400  }
0x1a: {  	s0 =	stileid.u32;
	[sflag:s16] =	ssyncset.done $0x0  }
0x1b: {  	s0 =	sshll.u32 s0, $0x6;
	[sflag:s16] =	ssyncadd.s32 $0xFFFFEC00  }
0x1c: {  	[tilespmem:s19], [sflag:$0x1] =	stream.indirect.gather [hbm4b:s1+s18], $0x80, s4, s18, $0xb8;
	[tilespmem:$0x1E080] =	vst v63  }
0x1d: {  	s29 =	sshrl.u32 s7, $0x3;
	s28 =	sor.u32 $0x1C03, s0  }
0x1e: {  	[tilespmem:s21], [sflag:$0x2] =	stream.indirect.gather [hbm4b:s1+s18], $0x80, s20, s18, $0xb8;
	[tilespmem:$0x1E080] =	vst v63  }
0x1f: {  	[spmem:s29], [sflag:s28] =	dma.local [hbm:s8], $0x2700  }
0x20: {  	_ =	swait.ge [sflag:s16], $0x2700  }
0x21: {  	[sflag:s16] =	ssyncset.done $0x0  }
0x22: {  	s30 =	sshrl.u32 @!p0 s9, $0x3;
	s0 =	simm.s32 @!p0 $0x3;
	[sflag:s16] =	ssyncadd.s32 $0xFFFFD900  }
0x23: {  	[spmem:s30], [sflag:s28] =	dma.local @!p0 [hbm:s10], $0x100  }
0x24: {  	_ =	swait.ge @!p0 [sflag:s0], $0x100  }
0x25: {  	[sflag:s0] =	ssyncset.done @!p0 $0x0  }
0x26: {  	[sflag:s0] =	ssyncadd.s32 @!p0 $0xFFFFFF00  }
0x27: {  	[bflag:$0x0] =	sbarrier.arrive $0xFFFF  }
0x28: {  	_ =	swait.ge [sflag:s22], $0x3E80  }
0x29: {  	[sflag:s22] =	ssyncset.done $0x0  }
0x2a: {  	s3 =	simm.s32 $0x1400;
	[sflag:s22] =	ssyncadd.s32 $0xFFFFC180  }
0x2b: {  	[spmem:s2] =	stream.indirect.scatter.add.f32 [tilespmem:s19], [sflag:$0x3], $0x80, s3, s18, $0xb8;
	[tilespmem:$0x1E080] =	vst v63  }
0x2c: {  	_ =	swait.ge [sflag:s16], $0x3E80  }
0x2d: {  	[sflag:s16] =	ssyncset.done $0x0  }
0x2e: {  	s3 =	simm.s32 $0x100;
	[sflag:s16] =	ssyncadd.s32 $0xFFFFC180  }
0x2f: {  	[tilespmem:s19], [sflag:$0x1] =	stream.indirect.gather [hbm4b:s1+s18], $0x80, s3, s18, $0xb8;
	[tilespmem:$0x1E080] =	vst v63  }
0x30: {  	_ =	swait.ge [sflag:s23], $0x3E80  }
0x31: {  	[sflag:s23] =	ssyncset.done $0x0  }
0x32: {  	s3 =	simm.s32 $0x1480;
	[sflag:s23] =	ssyncadd.s32 $0xFFFFC180  }
0x33: {  	[spmem:s2] =	stream.indirect.scatter.add.f32 [tilespmem:s21], [sflag:$0x3], $0x80, s3, s18, $0xb8;
	[tilespmem:$0x1E080] =	vst v63  }
0x34: {  	_ =	swait.ge [sflag:s16], $0x3E80  }
0x35: {  	[sflag:s16] =	ssyncset.done $0x0  }
0x36: {  	s31 =	simm.s32 $0x400;
	s0 =	simm.s32 $0x180;
	[sflag:s16] =	ssyncadd.s32 $0xFFFFC180  }
.LBB2_2:
0x37: {  	[tilespmem:s21], [sflag:$0x2] =	stream.indirect.gather [hbm4b:s1+s18], $0x80, s0, s18, $0xb8;
	[tilespmem:$0x1E080] =	vst v63  }
0x38: {  	s0 =	smov.u32 s31  }
0x39: {  	p1 =	sne.s32 s31, $0x4800;
	s31 =	sadd.s32 $0x400, s31;
	_ =	swait.ge [sflag:s22], $0x3E80  }
0x3a: {  	s0 =	sshra.s32 s0, $0x2;
	[sflag:s22] =	ssyncset.done $0x0  }
0x3b: {  	s3 =	sadd.s32 $0x1400, s0;
	[sflag:s22] =	ssyncadd.s32 $0xFFFFC180  }
0x3c: {  	[spmem:s2] =	stream.indirect.scatter.add.f32 [tilespmem:s19], [sflag:$0x3], $0x80, s3, s18, $0xb8;
	[tilespmem:$0x1E080] =	vst v63  }
0x3d: {  	_ =	swait.ge [sflag:s16], $0x3E80  }
0x3e: {  	[sflag:s16] =	ssyncset.done $0x0  }
0x3f: {  	s3 =	sadd.s32 $0x100, s0;
	[sflag:s16] =	ssyncadd.s32 $0xFFFFC180  }
0x40: {  	[tilespmem:s19], [sflag:$0x1] =	stream.indirect.gather [hbm4b:s1+s18], $0x80, s3, s18, $0xb8;
	[tilespmem:$0x1E080] =	vst v63  }
0x41: {  	_ =	swait.ge [sflag:s23], $0x3E80  }
0x42: {  	[sflag:s23] =	ssyncset.done $0x0  }
.Ltmp0:
0x43: {  	s3 =	sadd.s32 $0x1480, s0;
	[sflag:s23] =	ssyncadd.s32 $0xFFFFC180;
	(pc) =	sbr.rel @p1 .LBB2_2-.Ltmp0, $4  }
0x44: {  	[spmem:s2] =	stream.indirect.scatter.add.f32 [tilespmem:s21], [sflag:$0x3], $0x80, s3, s18, $0xb8;
	[tilespmem:$0x1E080] =	vst v63  }
0x45: {  	_ =	swait.ge [sflag:s16], $0x3E80  }
0x46: {  	[sflag:s16] =	ssyncset.done $0x0  }
0x47: {  	s0 =	sadd.s32 $0x180, s0;
	[sflag:s16] =	ssyncadd.s32 $0xFFFFC180  }
0x48: {  	[tilespmem:s21], [sflag:$0x2] =	stream.indirect.gather [hbm4b:s1+s18], $0x80, s0, s18, $0xb8;
	[tilespmem:$0x1E080] =	vst v63  }
0x49: {  	_ =	swait.ge [sflag:s22], $0x3E80  }
0x4a: {  	[sflag:s22] =	ssyncset.done $0x0  }
0x4b: {  	[sflag:s22] =	ssyncadd.s32 $0xFFFFC180  }
0x4c: {  	[spmem:s2] =	stream.indirect.scatter.add.f32 [tilespmem:s19], [sflag:$0x3], $0x80, s24, s18, $0xb8;
	[tilespmem:$0x1E080] =	vst v63  }
0x4d: {  	_ =	swait.ge [sflag:s16], $0x3E80  }
0x4e: {  	[sflag:s16] =	ssyncset.done $0x0  }
0x4f: {  	[sflag:s16] =	ssyncadd.s32 $0xFFFFC180  }
0x50: {  	_ =	swait.ge [sflag:s23], $0x3E80  }
0x51: {  	[sflag:s23] =	ssyncset.done $0x0  }
0x52: {  	[sflag:s23] =	ssyncadd.s32 $0xFFFFC180  }
0x53: {  	[spmem:s2] =	stream.indirect.scatter.add.f32 [tilespmem:s21], [sflag:$0x3], $0x80, s25, s18, $0xb8;
	[tilespmem:$0x1E080] =	vst v63  }
0x54: {  	_ =	swait.ge [sflag:s16], $0x3E80  }
0x55: {  	[sflag:s16] =	ssyncset.done $0x0  }
0x56: {  	s3 =	simm.s32 $0x0;
	[sflag:s16] =	ssyncadd.s32 $0xFFFFC180  }
0x57: {  	[tilespmem:s3], [sflag:$0x3] =	stream.linear.gather [hbm4b:s11+s3], $0x1400, $0x38;
	[tilespmem:$0x1E080] =	vst v63  }
0x58: {  	_ =	swait.ge [sflag:s16], $0x1400  }
0x59: {  	[sflag:s16] =	ssyncset.done $0x0  }
0x5a: {  	[sflag:s16] =	ssyncadd.s32 $0xFFFFEC00  }
0x5b: {  	[tilespmem:s17], [sflag:$0x3] =	stream.linear.gather [hbm4b:s12+s3], $0x1400, $0x38;
	[tilespmem:$0x1E080] =	vst v63  }
0x5c: {  	_ =	swait.ge [sflag:s16], $0x1400  }
0x5d: {  	[sflag:s16] =	ssyncset.done $0x0  }
0x5e: {  	[sflag:s16] =	ssyncadd.s32 $0xFFFFEC00  }
0x5f: {  	[tilespmem:s19], [sflag:$0x1] =	stream.indirect.gather [hbm4b:s1+s18], $0x80, s3, s18, $0xb8;
	[tilespmem:$0x1E080] =	vst v63  }
0x60: {  	_ = 	snop  }
0x61: {  	[tilespmem:s21], [sflag:$0x2] =	stream.indirect.gather [hbm4b:s1+s18], $0x80, s20, s18, $0xb8;
	[tilespmem:$0x1E080] =	vst v63  }
0x62: {  	_ =	swait.ge [sflag:s22], $0x3E80  }
0x63: {  	[sflag:s22] =	ssyncset.done $0x0  }
0x64: {  	s3 =	simm.s32 $0x1400;
	[sflag:s22] =	ssyncadd.s32 $0xFFFFC180  }
0x65: {  	[spmem:s2] =	stream.indirect.scatter.add.f32 [tilespmem:s19], [sflag:$0x3], $0x80, s3, s18, $0xb8;
	[tilespmem:$0x1E080] =	vst v63  }
0x66: {  	_ =	swait.ge [sflag:s16], $0x3E80  }
0x67: {  	[sflag:s16] =	ssyncset.done $0x0  }
0x68: {  	s3 =	simm.s32 $0x100;
	[sflag:s16] =	ssyncadd.s32 $0xFFFFC180  }
0x69: {  	[tilespmem:s19], [sflag:$0x1] =	stream.indirect.gather [hbm4b:s1+s18], $0x80, s3, s18, $0xb8;
	[tilespmem:$0x1E080] =	vst v63  }
0x6a: {  	_ =	swait.ge [sflag:s23], $0x3E80  }
0x6b: {  	[sflag:s23] =	ssyncset.done $0x0  }
0x6c: {  	s3 =	simm.s32 $0x1480;
	[sflag:s23] =	ssyncadd.s32 $0xFFFFC180  }
0x6d: {  	[spmem:s2] =	stream.indirect.scatter.add.f32 [tilespmem:s21], [sflag:$0x3], $0x80, s3, s18, $0xb8;
	[tilespmem:$0x1E080] =	vst v63  }
0x6e: {  	_ =	swait.ge [sflag:s16], $0x3E80  }
0x6f: {  	[sflag:s16] =	ssyncset.done $0x0  }
0x70: {  	s31 =	simm.s32 $0x400;
	s0 =	simm.s32 $0x180;
	[sflag:s16] =	ssyncadd.s32 $0xFFFFC180  }
.LBB2_4:
0x71: {  	[tilespmem:s21], [sflag:$0x2] =	stream.indirect.gather [hbm4b:s1+s18], $0x80, s0, s18, $0xb8;
	[tilespmem:$0x1E080] =	vst v63  }
0x72: {  	s0 =	smov.u32 s31  }
0x73: {  	p1 =	sne.s32 s31, $0x4800;
	s31 =	sadd.s32 $0x400, s31;
	_ =	swait.ge [sflag:s22], $0x3E80  }
0x74: {  	s0 =	sshra.s32 s0, $0x2;
	[sflag:s22] =	ssyncset.done $0x0  }
0x75: {  	s3 =	sadd.s32 $0x1400, s0;
	[sflag:s22] =	ssyncadd.s32 $0xFFFFC180  }
0x76: {  	[spmem:s2] =	stream.indirect.scatter.add.f32 [tilespmem:s19], [sflag:$0x3], $0x80, s3, s18, $0xb8;
	[tilespmem:$0x1E080] =	vst v63  }
0x77: {  	_ =	swait.ge [sflag:s16], $0x3E80  }
0x78: {  	[sflag:s16] =	ssyncset.done $0x0  }
0x79: {  	s3 =	sadd.s32 $0x100, s0;
	[sflag:s16] =	ssyncadd.s32 $0xFFFFC180  }
0x7a: {  	[tilespmem:s19], [sflag:$0x1] =	stream.indirect.gather [hbm4b:s1+s18], $0x80, s3, s18, $0xb8;
	[tilespmem:$0x1E080] =	vst v63  }
0x7b: {  	_ =	swait.ge [sflag:s23], $0x3E80  }
0x7c: {  	[sflag:s23] =	ssyncset.done $0x0  }
.Ltmp1:
0x7d: {  	s3 =	sadd.s32 $0x1480, s0;
	[sflag:s23] =	ssyncadd.s32 $0xFFFFC180;
	(pc) =	sbr.rel @p1 .LBB2_4-.Ltmp1, $4  }
0x7e: {  	[spmem:s2] =	stream.indirect.scatter.add.f32 [tilespmem:s21], [sflag:$0x3], $0x80, s3, s18, $0xb8;
	[tilespmem:$0x1E080] =	vst v63  }
0x7f: {  	_ =	swait.ge [sflag:s16], $0x3E80  }
0x80: {  	[sflag:s16] =	ssyncset.done $0x0  }
0x81: {  	s0 =	sadd.s32 $0x180, s0;
	[sflag:s16] =	ssyncadd.s32 $0xFFFFC180  }
0x82: {  	[tilespmem:s21], [sflag:$0x2] =	stream.indirect.gather [hbm4b:s1+s18], $0x80, s0, s18, $0xb8;
	[tilespmem:$0x1E080] =	vst v63  }
0x83: {  	_ =	swait.ge [sflag:s22], $0x3E80  }
0x84: {  	[sflag:s22] =	ssyncset.done $0x0  }
0x85: {  	[sflag:s22] =	ssyncadd.s32 $0xFFFFC180  }
0x86: {  	[spmem:s2] =	stream.indirect.scatter.add.f32 [tilespmem:s19], [sflag:$0x3], $0x80, s24, s18, $0xb8;
	[tilespmem:$0x1E080] =	vst v63  }
0x87: {  	_ =	swait.ge [sflag:s16], $0x3E80  }
0x88: {  	[sflag:s16] =	ssyncset.done $0x0  }
0x89: {  	[sflag:s16] =	ssyncadd.s32 $0xFFFFC180  }
0x8a: {  	_ =	swait.ge [sflag:s23], $0x3E80  }
0x8b: {  	[sflag:s23] =	ssyncset.done $0x0  }
0x8c: {  	[sflag:s23] =	ssyncadd.s32 $0xFFFFC180  }
0x8d: {  	[spmem:s2] =	stream.indirect.scatter.add.f32 [tilespmem:s21], [sflag:$0x3], $0x80, s25, s18, $0xb8;
	[tilespmem:$0x1E080] =	vst v63  }
0x8e: {  	_ =	swait.ge [sflag:s16], $0x3E80  }
0x8f: {  	[sflag:s16] =	ssyncset.done $0x0  }
0x90: {  	[sflag:s16] =	ssyncadd.s32 $0xFFFFC180  }
0x91: {  	[bflag:$0x0] =	sbarrier.arrive $0xFFFF  }
0x92: {  	[hbm:s13], [sflag:s28] =	dma.local [spmem:s29], $0x2700  }
0x93: {  	s26 =	sadd.s32 $0x1, s26;
	_ =	swait.ge [sflag:s16], $0x2700  }
0x94: {  	p1 =	sne.s32 s26, s15;
	[sflag:s16] =	ssyncset.done $0x0  }
.Ltmp2:
0x95: {  	s0 =	simm.s32 @!p0 $0x3;
	[sflag:s16] =	ssyncadd.s32 $0xFFFFD900;
	(pc) =	sbr.rel @p1 .LBB2_1-.Ltmp2, $4  }
0x96: {  	[hbm:s14], [sflag:s28] =	dma.local @!p0 [spmem:s30], $0x100  }
0x97: {  	_ =	swait.ge @!p0 [sflag:s0], $0x100  }
0x98: {  	[sflag:s0] =	ssyncset.done @!p0 $0x0  }
0x99: {  	[sflag:s0] =	ssyncadd.s32 @!p0 $0xFFFFFF00  }
0x9a: {  	_ =	sfence.sel $0x180000  }
0x9b: {  	[bflag:$0x0] =	sbarrier.arrive $0xFFFF  }
0x9c: {  	_ =	strace $0x9000004A  }
0x9d: {  	s0 =	stileid.u32;
	[bflag:$0x2] =	sbarrier.arrive $0xFFFF  }
0x9e: {  	p0 =	sne.s32 s0, $0x0;
	s0 =	rddreg [dreg:$0x3]  }
0x9f: {  	s0 =	sadd.s32 @!p0 $0x100000, s0  }
0xa0: {  	[sflag:s0] =	ssyncadd.tile.s32 @!p0 $0x1;
	_ =	shalt  }
.Lfunc_end2:
_tile_overlayer_lowered:
.L_overlay_start_2:
0xa1: {  	(tag) =	ssettag $0x2  }
0xa2: {  	s0 =	rddreg [dreg:$0x0];
	s2 =	stileid.u32  }
0xa3: {  	s1 =	rddreg [dreg:$0x1];
	p0 =	sne.s32 s2, $0x0  }
0xa4: {  	s3 =	rddreg [dreg:$0x2];
	[bflag:$0x3] =	sbarrier.arrive $0xFFFF;
	s2 =	simm.s32 @!p0 $0x1C03  }
0xa5: {  	[timem:s3], [sflag:s2] =	dma.local @!p0 [hbm:s0], s1  }
0xa6: {  	s0 =	simm.s32 @!p0 $0x3  }
0xa7: {  	_ =	swait.ge @!p0 [sflag:s0], s1  }
0xa8: {  	s1 =	ssub.s32 @!p0 $0x0, s1;
	[sflag:s0] =	ssyncset.done @!p0 $0x0  }
0xa9: {  	[sflag:s0] =	ssyncadd.s32 @!p0 s1  }
0xaa: {  	[bflag:$0x3] =	sbarrier.arrive $0xFFFF  }
0xab: {  	_ =	shalt  }

// kernel: kernel.7.cloned.1.call-start
scs
__scs_entry_jumppad:
0x0: {  	(pc) =	sbr.rel $0x88, $3  }
0x1: {  	(tag) =	ssettag $0x0;
	lr =	simm.s32 $0x1  }
0x2: {  	[smem:$0x3F9B] =	sst lr;
	_ =	strace $0xD0000000  }
0x3: {  	_ = 	snop  }
0x4: {  	_ = 	snop  }
0x5: {  	_ = 	snop  }
0x6: {  	_ = 	snop  }
0x7: {  	_ = 	snop  }
__scs_overlays_trampoline_lowered:
0x8: {  	[smem:$0x3FAA] =	sst s0  }
0x9: {  	[smem:$0x3FAB] =	sst s1  }
0xa: {  	[smem:$0x3FAC] =	sst s2  }
0xb: {  	[smem:$0x3FAD] =	sst s3  }
0xc: {  	[smem:$0x3FAE] =	sst s4  }
0xd: {  	[smem:$0x3FAF] =	sst s5  }
0xe: {  	[smem:$0x3FB0] =	sst s6  }
0xf: {  	[smem:$0x3FB1] =	sst s7  }
0x10: {  	[smem:$0x3FB2] =	sst s8  }
0x11: {  	[smem:$0x3FB3] =	sst s9;
	s0 =	simm.s32 @!p0 $0x0  }
0x12: {  	s1 =	sld [smem:$0x3F99];
	s0 =	simm.s32 @p0 $0x1  }
0x13: {  	[smem:$0x3FB4] =	sst s0;
	s0 =	simm.s32 @!p1 $0x0  }
0x14: {  	s2 =	sld [smem:$0x3F98];
	s0 =	simm.s32 @p1 $0x1  }
0x15: {  	[smem:$0x3FB5] =	sst s0;
	s0 =	simm.s32 @!p2 $0x0  }
0x16: {  	s3 =	sld [smem:$0x3FDB];
	s0 =	simm.s32 @p2 $0x1  }
0x17: {  	s4 =	simm.s32 $0x1BF5;
	[smem:$0x3FB7] =	sst s0  }
0x18: {  	s0 =	sld [smem:$0x3F9A];
	_ =	swait.ge [sflag:s4], $0x0  }
0x19: {  	s7 =	sld [smem:$0x3F9B]  }
0x1a: {  	s8 =	sadd.s32 $0xFFFFE003, lr  }
0x1b: {  	s9 =	sadd.s32 $0xFFFFFEF7, lr;
	s5 =	simm.s32 $0xFFFFFFFF;
	p2 =	slt.u32 s8, $0xFFFFF086  }
0x1c: {  	p1 =	slt.u32 s9, $0xF7A;
	s5 =	simm.s32 @!p2 $0x0  }
0x1d: {  	s5 =	simm.s32 @p1 $0x1;
	p0 =	seq.s32 s7, s2  }
0x1e: {  	s7 =	smul.u32 @!p0 $0xF7A, s2;
	p2 =	seq.s32 @!p0 s5, $0x0  }
0x1f: {  	s9 =	smul.u32 $0xF7A, s1;
	s8 =	simm.s32 @!p0 $0x1BF5;
	p2 =	por !p2, p0  }
0x20: {  	[sflag:s8] =	ssyncset.s32 @!p0 $0xFFFFF086;
	s6 =	sadd.s32 @!p0 s3, s7;
	s7 =	simm.s32 @!p0 $0x108  }
0x21: {  	s3 =	sadd.s32 s3, s9;
	s6 =	sadd.s32 @!p0 $0x88, s6;
	s7 =	simm.s32 @p2 $0x1082  }
0x22: {  	[simem:s7], [sflag:s8] =	dma.local @!p0 [hbm:s6], $0xF7A  }
0x23: {  	s9 =	sor.u32 $0xD0000000, s2;
	s6 =	simm.s32 $0x108;
	_ =	swait.ge @!p0 [sflag:s8], $0x0  }
0x24: {  	s3 =	sadd.s32 $0x88, s3;
	s6 =	simm.s32 @!p1 $0x1082;
	[sflag:s4] =	ssyncset.s32 $0xFFFFF086  }
0x25: {  	[simem:s6], [sflag:s4] =	dma.local [hbm:s3], $0xF7A  }
0x26: {  	[smem:$0x3F9B] =	sst s1;
	(tag) =	ssettag s2;
	_ =	strace s9  }
0x27: {  	s1 =	sld [smem:$0x3FAB]  }
0x28: {  	s2 =	sld [smem:$0x3FAC]  }
0x29: {  	s4 =	sld [smem:$0x3FAE]  }
0x2a: {  	p0 =	seq.s32 s5, $0x0;
	s5 =	sld [smem:$0x3FAF]  }
0x2b: {  	s6 =	sld [smem:$0x3FB0]  }
0x2c: {  	s7 =	sld [smem:$0x3FB1]  }
0x2d: {  	s3 =	simm.s32 $0x108;
	s8 =	sld [smem:$0x3FB2]  }
0x2e: {  	s3 =	simm.s32 @!p0 $0x1082;
	s9 =	sld [smem:$0x3FB3]  }
0x2f: {  	lr =	sadd.s32 s0, s3;
	s0 =	sld [smem:$0x3FAA]  }
0x30: {  	s3 =	sld [smem:$0x3FAD]  }
0x31: {  	[smem:$0x3FB6] =	sst s10  }
0x32: {  	s10 =	sld [smem:$0x3FB4];
	_ =	sdelay $0x3  }
0x33: {  	p0 =	seq.s32 s10, $0x1;
	s10 =	sld [smem:$0x3FB6];
	_ =	sdelay $0x3  }
0x34: {  	[smem:$0x3FB6] =	sst s10  }
0x35: {  	s10 =	sld [smem:$0x3FB5];
	_ =	sdelay $0x3  }
0x36: {  	p1 =	seq.s32 s10, $0x1;
	s10 =	sld [smem:$0x3FB6];
	_ =	sdelay $0x3  }
0x37: {  	[smem:$0x3FB6] =	sst s10  }
0x38: {  	s10 =	sld [smem:$0x3FB7]  }
0x39: {  	_ = 	snop;
	(pc) =	sbr.ind lr, $3  }
0x3a: {  	_ = 	snop  }
0x3b: {  	_ = 	snop  }
0x3c: {  	p2 =	seq.s32 s10, $0x1;
	s10 =	sld [smem:$0x3FB6]  }
0x3d: {  	_ =	shalt  }
0x3e: {  	_ =	shalt  }
0x3f: {  	_ =	shalt  }
0x40: {  	_ =	shalt  }
0x41: {  	_ =	shalt  }
0x42: {  	_ =	shalt  }
0x43: {  	_ =	shalt  }
0x44: {  	_ =	shalt  }
0x45: {  	_ =	shalt  }
0x46: {  	_ =	shalt  }
0x47: {  	_ =	shalt  }
0x48: {  	_ =	shalt  }
0x49: {  	_ =	shalt  }
0x4a: {  	_ =	shalt  }
0x4b: {  	_ =	shalt  }
0x4c: {  	_ =	shalt  }
0x4d: {  	_ =	shalt  }
0x4e: {  	_ =	shalt  }
0x4f: {  	_ =	shalt  }
0x50: {  	_ =	shalt  }
0x51: {  	_ =	shalt  }
0x52: {  	_ =	shalt  }
0x53: {  	_ =	shalt  }
0x54: {  	_ =	shalt  }
0x55: {  	_ =	shalt  }
0x56: {  	_ =	shalt  }
0x57: {  	_ =	shalt  }
0x58: {  	_ =	shalt  }
0x59: {  	_ =	shalt  }
0x5a: {  	_ =	shalt  }
0x5b: {  	_ =	shalt  }
0x5c: {  	_ =	shalt  }
0x5d: {  	_ =	shalt  }
0x5e: {  	_ =	shalt  }
0x5f: {  	_ =	shalt  }
0x60: {  	_ =	shalt  }
0x61: {  	_ =	shalt  }
0x62: {  	_ =	shalt  }
0x63: {  	_ =	shalt  }
0x64: {  	_ =	shalt  }
0x65: {  	_ =	shalt  }
0x66: {  	_ =	shalt  }
0x67: {  	_ =	shalt  }
0x68: {  	_ =	shalt  }
0x69: {  	_ =	shalt  }
0x6a: {  	_ =	shalt  }
0x6b: {  	_ =	shalt  }
0x6c: {  	_ =	shalt  }
0x6d: {  	_ =	shalt  }
0x6e: {  	_ =	shalt  }
0x6f: {  	_ =	shalt  }
0x70: {  	_ =	shalt  }
0x71: {  	_ =	shalt  }
0x72: {  	_ =	shalt  }
0x73: {  	_ =	shalt  }
0x74: {  	_ =	shalt  }
0x75: {  	_ =	shalt  }
0x76: {  	_ =	shalt  }
0x77: {  	_ =	shalt  }
0x78: {  	_ =	shalt  }
0x79: {  	_ =	shalt  }
0x7a: {  	_ =	shalt  }
0x7b: {  	_ =	shalt  }
0x7c: {  	_ =	shalt  }
0x7d: {  	_ =	shalt  }
0x7e: {  	_ =	shalt  }
0x7f: {  	_ =	shalt  }
0x80: {  	_ =	shalt  }
0x81: {  	_ =	shalt  }
0x82: {  	_ =	shalt  }
0x83: {  	_ =	shalt  }
0x84: {  	_ =	shalt  }
0x85: {  	_ =	shalt  }
0x86: {  	_ =	shalt  }
0x87: {  	_ =	shalt  }
.Lfunc_end0:
.L_simem_size_0:
called_computation_lowered:
.L_overlay_start_0:
0x88: {  	s2 =	sld [smem:$0x3FD9]  }
0x89: {  	s3 =	sld [smem:$0x3FFE];
	_ =	sdelay $0x1  }
0x8a: {  	s1 =	srdreg.scid  }
0x8b: {  	s0 =	sand.u32 $0x1, s1  }
0x8c: {  	s17 =	sshll.u32 s0, $0xA;
	s2 =	sadd.s32 s3, s2  }
0x8d: {  	s2 =	sadd.s32 s2, s17  }
0x8e: {  	[smem:$0x3FC2] =	sst s2  }
0x8f: {  	_ = 	snop  }
0x90: {  	s2 =	sld [smem:$0x3FD0];
	(tm) =	ssettm $0x1  }
0x91: {  	s18 =	sld [smem:$0x3FFB];
	_ =	sdelay $0x3  }
0x92: {  	_ =	strace s18  }
0x93: {  	s3 =	sld [smem:$0x3FFC];
	_ =	sdelay $0x3  }
0x94: {  	_ =	strace s3  }
0x95: {  	s3 =	sld [smem:$0x3FFD];
	_ =	sdelay $0x3  }
0x96: {  	_ =	strace s3  }
0x97: {  	_ =	strace $0x8FFFFFFF  }
0x98: {  	s19 =	sld [smem:$0x3FDB];
	_ =	sdelay $0x1  }
0x99: {  	s4 =	simm.s32 $_scs_section_size  }
0x9a: {  	s5 =	simm.s32 $_size__tile_overlayer_lowered;
	s6 =	simm.s32 $_tile_overlayer_lowered  }
0x9b: {  	s22 =	simm.s32 $0x1BFF;
	s21 =	sshll.u32 s6, $0x1;
	s3 =	sadd.s32 s4, s19  }
0x9c: {  	s7 =	simm.s32 $0x0;
	s20 =	sshll.u32 s5, $0x1;
	s5 =	sadd.s32 s21, s3  }
0x9d: {  	[timem:s7], [sflag:s22] =	dma.local [hbm:s5], s20  }
0x9e: {  	_ =	swait.ge [sflag:s22], s20  }
0x9f: {  	s4 =	ssub.s32 $0x0, s20;
	[sflag:s22] =	ssyncset.done $0x0  }
0xa0: {  	[sflag:s22] =	ssyncadd.s32 s4;
	_ =	sdelay $0x1  }
0xa1: {  	s23 =	simm.s32 $0x1B8B  }
0xa2: {  	_ =	swait.ge [sflag:s23], $0x1  }
0xa3: {  	[sflag:s23] =	ssyncset.done $0x0  }
0xa4: {  	s25 =	simm.s32 $0x1B8E;
	s24 =	sld [smem:$0x3FFE];
	[sflag:s23] =	ssyncadd.s32 $0xFFFFFFFF  }
0xa5: {  	s26 =	simm.s32 $execute0_lowered;
	[smem:$0x3FD2] =	sst s25  }
0xa6: {  	s5 =	sshll.u32 s26, $0x1;
	_ =	strace $0x80000046;
	[dreg:$0x1] =	wrdreg $0xFFFFFFFF  }
0xa7: {  	s28 =	simm.s32 $_size_execute0_lowered;
	s3 =	sadd.s32 s3, s5;
	[dreg:$0x0] =	wrdreg $0x0  }
0xa8: {  	s5 =	sshll.u32 s28, $0x1;
	[dreg:$0x2] =	wrdreg s3  }
0xa9: {  	[dreg:$0x3] =	wrdreg s5  }
0xaa: {  	[dreg:$0x4] =	wrdreg $0xC0  }
0xab: {  	_ =	task [dreg:s7], $0x5FFFF  }
0xac: {  	[dreg:$0x1] =	wrdreg $0xFFFFFFFF  }
0xad: {  	[dreg:$0x0] =	wrdreg $0x60  }
0xae: {  	[dreg:$0x2] =	wrdreg s2  }
0xaf: {  	[dreg:$0x3] =	wrdreg s24  }
0xb0: {  	[dreg:$0x4] =	wrdreg $0xA8000  }
0xb1: {  	[dreg:$0x5] =	wrdreg $0x9  }
0xb2: {  	_ =	task.clear_ibuf [dreg:s7], $0x6FFFF;
	_ =	strace $0x90000046  }
0xb3: {  	s29 =	simm.s32 $0x9;
	_ =	strace $0x80000048  }
0xb4: {  	_ =	swait.ge [sflag:s29], $0x1  }
0xb5: {  	[sflag:s29] =	ssyncadd.s32 $0xFFFFFFFF  }
0xb6: {  	_ =	strace $0x90000048  }
0xb7: {  	_ =	sfence  }
0xb8: {  	s30 =	sld [smem:$0x0];
	_ =	sdelay $0x2  }
0xb9: {  	s31 =	sshll.u32 s1, $0xD;
	s1 =	sshrl.u32 s1, $0x2  }
0xba: {  	s3 =	sand.u32 $0x4000, s31;
	s1 =	sadd.s32 s1, s30  }
0xbb: {  	s0 =	sor.u32 s3, s0;
	s1 =	sshll.u32 s1, $0x11  }
0xbc: {  	s0 =	sor.u32 s1, s0  }
0xbd: {  	s0 =	sadd.s32 $0x8F2B, s0  }
0xbe: {  	[sflag:s0] =	ssyncadd.remote.s32 $0x1  }
0xbf: {  	_ =	sfence.sel $0xFFFF  }
0xc0: {  	[dreg:$0x0] =	wrdreg $0xFFFFFFFF;
	(pc) =	sbr.abs _section_cstart, $3  }
0xc1: {  	[dreg:$0x1] =	wrdreg $0xFFFFFFFF  }
0xc2: {  	_ =	task.clear_ibuf [dreg:s7], $0x2FFFF;
	_ =	strace $0x9FFFFFFF  }
0xc3: {  	(tm) =	ssettm $0x7FFFFFFF  }
tec
execute0_lowered:
.L_overlay_start_1:
0x0: {  	(tag) =	ssettag $0x1  }
0x1: {  	s1 =	rddreg [dreg:$0x0]  }
0x2: {  	s0 =	rddreg [dreg:$0x1]  }
0x3: {  	s2 =	rddreg [dreg:$0x2];
	s4 =	simm.s32 $0x0;
	s5 =	srdreg.scid  }
0x4: {  	s3 =	stileid.u32;
	s18 =	simm.s32 $0x7D;
	s19 =	simm.s32 $0x2800  }
0x5: {  	s20 =	simm.s32 $0x80;
	s21 =	simm.s32 $0x6800;
	s22 =	simm.s32 $0x1  }
0x6: {  	s23 =	simm.s32 $0x2;
	s24 =	simm.s32 $0x2700;
	[smem:$0x7FF] =	sst s4  }
0x7: {  	s9 =	sand.u32 $0x1, s5;
	s12 =	smul.u32 $0x13800, s3;
	s13 =	sadd.s32 $0x1200, s0  }
0x8: {  	s11 =	sadd.s32 $0xB200, s0;
	s10 =	smul.u32 $0x4E000, s3;
	s14 =	sadd.s32 $0x3C400, s0  }
0x9: {  	p0 =	sne.s32 s3, $0xF;
	_ =	strace $0x80000047;
	s5 =	sshll.u32 s9, $0x4  }
0xa: {  	s7 =	ssub.s32 $0x2, s9;
	s17 =	smul.u32 $0x138800, s9;
	s9 =	sadd.s32 $0x138000, s2  }
0xb: {  	s5 =	sor.u32 s3, s5;
	s6 =	sshrl.u32 s12, $0x3;
	s25 =	sshrl.u32 s7, $0x1  }
0xc: {  	s26 =	sshrl.u32 s10, $0x2;
	s10 =	sadd.s32 $0x3C200, s0;
	s5 =	smul.u32 $0x2800, s5  }
0xd: {  	s8 =	sadd.s32 s6, s0;
	s15 =	ssub.s32 s7, s25;
	s7 =	sadd.s32 s26, s2  }
0xe: {  	s29 =	sadd.s32 s12, s17;
	s17 =	sshrl.u32 s17, $0x3;
	s25 =	simm.s32 $0x2780  }
0xf: {  	s26 =	simm.s32 $0x0;
	s8 =	sadd.s32 $0x15200, s8;
	s30 =	sshrl.u32 s29, $0x3  }
0x10: {  	s31 =	sadd.s32 s14, s17;
	s15 =	smax.u32 s15, $0x1;
	s16 =	sshrl.u32 s5, $0x3  }
0x11: {  	s17 =	simm.s32 $0x1400;
	s5 =	sadd.s32 s11, s16;
	s28 =	sadd.s32 $0x280, s16  }
0x12: {  	s6 =	sadd.s32 s13, s16;
	s16 =	simm.s32 $0x3;
	s11 =	sadd.s32 s11, s28  }
0x13: {  	s12 =	sadd.s32 s13, s28;
	s13 =	sadd.s32 s14, s30;
	s14 =	sadd.s32 $0x27000, s31  }
.LBB2_1:
0x14: {  	[tilespmem:s4], [sflag:$0x3] =	stream.linear.gather [hbm4b:s5+s4], $0x1400, $0x38;
	[tilespmem:$0x1E080] =	vst v63  }
0x15: {  	_ =	swait.ge [sflag:s16], $0x1400  }
0x16: {  	[sflag:s16] =	ssyncset.done $0x0  }
0x17: {  	[sflag:s16] =	ssyncadd.s32 $0xFFFFEC00  }
0x18: {  	[tilespmem:s17], [sflag:$0x3] =	stream.linear.gather [hbm4b:s6+s4], $0x1400, $0x38;
	[tilespmem:$0x1E080] =	vst v63  }
0x19: {  	_ =	swait.ge [sflag:s16], $0x1400  }
0x1a: {  	s0 =	stileid.u32;
	[sflag:s16] =	ssyncset.done $0x0  }
0x1b: {  	s0 =	sshll.u32 s0, $0x6;
	[sflag:s16] =	ssyncadd.s32 $0xFFFFEC00  }
0x1c: {  	[tilespmem:s19], [sflag:$0x1] =	stream.indirect.gather [hbm4b:s1+s18], $0x80, s4, s18, $0xb8;
	[tilespmem:$0x1E080] =	vst v63  }
0x1d: {  	s29 =	sshrl.u32 s7, $0x3;
	s28 =	sor.u32 $0x1C03, s0  }
0x1e: {  	[tilespmem:s21], [sflag:$0x2] =	stream.indirect.gather [hbm4b:s1+s18], $0x80, s20, s18, $0xb8;
	[tilespmem:$0x1E080] =	vst v63  }
0x1f: {  	[spmem:s29], [sflag:s28] =	dma.local [hbm:s8], $0x2700  }
0x20: {  	_ =	swait.ge [sflag:s16], $0x2700  }
0x21: {  	[sflag:s16] =	ssyncset.done $0x0  }
0x22: {  	s30 =	sshrl.u32 @!p0 s9, $0x3;
	s0 =	simm.s32 @!p0 $0x3;
	[sflag:s16] =	ssyncadd.s32 $0xFFFFD900  }
0x23: {  	[spmem:s30], [sflag:s28] =	dma.local @!p0 [hbm:s10], $0x100  }
0x24: {  	_ =	swait.ge @!p0 [sflag:s0], $0x100  }
0x25: {  	[sflag:s0] =	ssyncset.done @!p0 $0x0  }
0x26: {  	[sflag:s0] =	ssyncadd.s32 @!p0 $0xFFFFFF00  }
0x27: {  	[bflag:$0x0] =	sbarrier.arrive $0xFFFF  }
0x28: {  	_ =	swait.ge [sflag:s22], $0x3E80  }
0x29: {  	[sflag:s22] =	ssyncset.done $0x0  }
0x2a: {  	s3 =	simm.s32 $0x1400;
	[sflag:s22] =	ssyncadd.s32 $0xFFFFC180  }
0x2b: {  	[spmem:s2] =	stream.indirect.scatter.add.f32 [tilespmem:s19], [sflag:$0x3], $0x80, s3, s18, $0xb8;
	[tilespmem:$0x1E080] =	vst v63  }
0x2c: {  	_ =	swait.ge [sflag:s16], $0x3E80  }
0x2d: {  	[sflag:s16] =	ssyncset.done $0x0  }
0x2e: {  	s3 =	simm.s32 $0x100;
	[sflag:s16] =	ssyncadd.s32 $0xFFFFC180  }
0x2f: {  	[tilespmem:s19], [sflag:$0x1] =	stream.indirect.gather [hbm4b:s1+s18], $0x80, s3, s18, $0xb8;
	[tilespmem:$0x1E080] =	vst v63  }
0x30: {  	_ =	swait.ge [sflag:s23], $0x3E80  }
0x31: {  	[sflag:s23] =	ssyncset.done $0x0  }
0x32: {  	s3 =	simm.s32 $0x1480;
	[sflag:s23] =	ssyncadd.s32 $0xFFFFC180  }
0x33: {  	[spmem:s2] =	stream.indirect.scatter.add.f32 [tilespmem:s21], [sflag:$0x3], $0x80, s3, s18, $0xb8;
	[tilespmem:$0x1E080] =	vst v63  }
0x34: {  	_ =	swait.ge [sflag:s16], $0x3E80  }
0x35: {  	[sflag:s16] =	ssyncset.done $0x0  }
0x36: {  	s31 =	simm.s32 $0x400;
	s0 =	simm.s32 $0x180;
	[sflag:s16] =	ssyncadd.s32 $0xFFFFC180  }
.LBB2_2:
0x37: {  	[tilespmem:s21], [sflag:$0x2] =	stream.indirect.gather [hbm4b:s1+s18], $0x80, s0, s18, $0xb8;
	[tilespmem:$0x1E080] =	vst v63  }
0x38: {  	s0 =	smov.u32 s31  }
0x39: {  	p1 =	sne.s32 s31, $0x4800;
	s31 =	sadd.s32 $0x400, s31;
	_ =	swait.ge [sflag:s22], $0x3E80  }
0x3a: {  	s0 =	sshra.s32 s0, $0x2;
	[sflag:s22] =	ssyncset.done $0x0  }
0x3b: {  	s3 =	sadd.s32 $0x1400, s0;
	[sflag:s22] =	ssyncadd.s32 $0xFFFFC180  }
0x3c: {  	[spmem:s2] =	stream.indirect.scatter.add.f32 [tilespmem:s19], [sflag:$0x3], $0x80, s3, s18, $0xb8;
	[tilespmem:$0x1E080] =	vst v63  }
0x3d: {  	_ =	swait.ge [sflag:s16], $0x3E80  }
0x3e: {  	[sflag:s16] =	ssyncset.done $0x0  }
0x3f: {  	s3 =	sadd.s32 $0x100, s0;
	[sflag:s16] =	ssyncadd.s32 $0xFFFFC180  }
0x40: {  	[tilespmem:s19], [sflag:$0x1] =	stream.indirect.gather [hbm4b:s1+s18], $0x80, s3, s18, $0xb8;
	[tilespmem:$0x1E080] =	vst v63  }
0x41: {  	_ =	swait.ge [sflag:s23], $0x3E80  }
0x42: {  	[sflag:s23] =	ssyncset.done $0x0  }
.Ltmp0:
0x43: {  	s3 =	sadd.s32 $0x1480, s0;
	[sflag:s23] =	ssyncadd.s32 $0xFFFFC180;
	(pc) =	sbr.rel @p1 .LBB2_2-.Ltmp0, $4  }
0x44: {  	[spmem:s2] =	stream.indirect.scatter.add.f32 [tilespmem:s21], [sflag:$0x3], $0x80, s3, s18, $0xb8;
	[tilespmem:$0x1E080] =	vst v63  }
0x45: {  	_ =	swait.ge [sflag:s16], $0x3E80  }
0x46: {  	[sflag:s16] =	ssyncset.done $0x0  }
0x47: {  	s0 =	sadd.s32 $0x180, s0;
	[sflag:s16] =	ssyncadd.s32 $0xFFFFC180  }
0x48: {  	[tilespmem:s21], [sflag:$0x2] =	stream.indirect.gather [hbm4b:s1+s18], $0x80, s0, s18, $0xb8;
	[tilespmem:$0x1E080] =	vst v63  }
0x49: {  	_ =	swait.ge [sflag:s22], $0x3E80  }
0x4a: {  	[sflag:s22] =	ssyncset.done $0x0  }
0x4b: {  	[sflag:s22] =	ssyncadd.s32 $0xFFFFC180  }
0x4c: {  	[spmem:s2] =	stream.indirect.scatter.add.f32 [tilespmem:s19], [sflag:$0x3], $0x80, s24, s18, $0xb8;
	[tilespmem:$0x1E080] =	vst v63  }
0x4d: {  	_ =	swait.ge [sflag:s16], $0x3E80  }
0x4e: {  	[sflag:s16] =	ssyncset.done $0x0  }
0x4f: {  	[sflag:s16] =	ssyncadd.s32 $0xFFFFC180  }
0x50: {  	_ =	swait.ge [sflag:s23], $0x3E80  }
0x51: {  	[sflag:s23] =	ssyncset.done $0x0  }
0x52: {  	[sflag:s23] =	ssyncadd.s32 $0xFFFFC180  }
0x53: {  	[spmem:s2] =	stream.indirect.scatter.add.f32 [tilespmem:s21], [sflag:$0x3], $0x80, s25, s18, $0xb8;
	[tilespmem:$0x1E080] =	vst v63  }
0x54: {  	_ =	swait.ge [sflag:s16], $0x3E80  }
0x55: {  	[sflag:s16] =	ssyncset.done $0x0  }
0x56: {  	s3 =	simm.s32 $0x0;
	[sflag:s16] =	ssyncadd.s32 $0xFFFFC180  }
0x57: {  	[tilespmem:s3], [sflag:$0x3] =	stream.linear.gather [hbm4b:s11+s3], $0x1400, $0x38;
	[tilespmem:$0x1E080] =	vst v63  }
0x58: {  	_ =	swait.ge [sflag:s16], $0x1400  }
0x59: {  	[sflag:s16] =	ssyncset.done $0x0  }
0x5a: {  	[sflag:s16] =	ssyncadd.s32 $0xFFFFEC00  }
0x5b: {  	[tilespmem:s17], [sflag:$0x3] =	stream.linear.gather [hbm4b:s12+s3], $0x1400, $0x38;
	[tilespmem:$0x1E080] =	vst v63  }
0x5c: {  	_ =	swait.ge [sflag:s16], $0x1400  }
0x5d: {  	[sflag:s16] =	ssyncset.done $0x0  }
0x5e: {  	[sflag:s16] =	ssyncadd.s32 $0xFFFFEC00  }
0x5f: {  	[tilespmem:s19], [sflag:$0x1] =	stream.indirect.gather [hbm4b:s1+s18], $0x80, s3, s18, $0xb8;
	[tilespmem:$0x1E080] =	vst v63  }
0x60: {  	_ = 	snop  }
0x61: {  	[tilespmem:s21], [sflag:$0x2] =	stream.indirect.gather [hbm4b:s1+s18], $0x80, s20, s18, $0xb8;
	[tilespmem:$0x1E080] =	vst v63  }
0x62: {  	_ =	swait.ge [sflag:s22], $0x3E80  }
0x63: {  	[sflag:s22] =	ssyncset.done $0x0  }
0x64: {  	s3 =	simm.s32 $0x1400;
	[sflag:s22] =	ssyncadd.s32 $0xFFFFC180  }
0x65: {  	[spmem:s2] =	stream.indirect.scatter.add.f32 [tilespmem:s19], [sflag:$0x3], $0x80, s3, s18, $0xb8;
	[tilespmem:$0x1E080] =	vst v63  }
0x66: {  	_ =	swait.ge [sflag:s16], $0x3E80  }
0x67: {  	[sflag:s16] =	ssyncset.done $0x0  }
0x68: {  	s3 =	simm.s32 $0x100;
	[sflag:s16] =	ssyncadd.s32 $0xFFFFC180  }
0x69: {  	[tilespmem:s19], [sflag:$0x1] =	stream.indirect.gather [hbm4b:s1+s18], $0x80, s3, s18, $0xb8;
	[tilespmem:$0x1E080] =	vst v63  }
0x6a: {  	_ =	swait.ge [sflag:s23], $0x3E80  }
0x6b: {  	[sflag:s23] =	ssyncset.done $0x0  }
0x6c: {  	s3 =	simm.s32 $0x1480;
	[sflag:s23] =	ssyncadd.s32 $0xFFFFC180  }
0x6d: {  	[spmem:s2] =	stream.indirect.scatter.add.f32 [tilespmem:s21], [sflag:$0x3], $0x80, s3, s18, $0xb8;
	[tilespmem:$0x1E080] =	vst v63  }
0x6e: {  	_ =	swait.ge [sflag:s16], $0x3E80  }
0x6f: {  	[sflag:s16] =	ssyncset.done $0x0  }
0x70: {  	s31 =	simm.s32 $0x400;
	s0 =	simm.s32 $0x180;
	[sflag:s16] =	ssyncadd.s32 $0xFFFFC180  }
.LBB2_4:
0x71: {  	[tilespmem:s21], [sflag:$0x2] =	stream.indirect.gather [hbm4b:s1+s18], $0x80, s0, s18, $0xb8;
	[tilespmem:$0x1E080] =	vst v63  }
0x72: {  	s0 =	smov.u32 s31  }
0x73: {  	p1 =	sne.s32 s31, $0x4800;
	s31 =	sadd.s32 $0x400, s31;
	_ =	swait.ge [sflag:s22], $0x3E80  }
0x74: {  	s0 =	sshra.s32 s0, $0x2;
	[sflag:s22] =	ssyncset.done $0x0  }
0x75: {  	s3 =	sadd.s32 $0x1400, s0;
	[sflag:s22] =	ssyncadd.s32 $0xFFFFC180  }
0x76: {  	[spmem:s2] =	stream.indirect.scatter.add.f32 [tilespmem:s19], [sflag:$0x3], $0x80, s3, s18, $0xb8;
	[tilespmem:$0x1E080] =	vst v63  }
0x77: {  	_ =	swait.ge [sflag:s16], $0x3E80  }
0x78: {  	[sflag:s16] =	ssyncset.done $0x0  }
0x79: {  	s3 =	sadd.s32 $0x100, s0;
	[sflag:s16] =	ssyncadd.s32 $0xFFFFC180  }
0x7a: {  	[tilespmem:s19], [sflag:$0x1] =	stream.indirect.gather [hbm4b:s1+s18], $0x80, s3, s18, $0xb8;
	[tilespmem:$0x1E080] =	vst v63  }
0x7b: {  	_ =	swait.ge [sflag:s23], $0x3E80  }
0x7c: {  	[sflag:s23] =	ssyncset.done $0x0  }
.Ltmp1:
0x7d: {  	s3 =	sadd.s32 $0x1480, s0;
	[sflag:s23] =	ssyncadd.s32 $0xFFFFC180;
	(pc) =	sbr.rel @p1 .LBB2_4-.Ltmp1, $4  }
0x7e: {  	[spmem:s2] =	stream.indirect.scatter.add.f32 [tilespmem:s21], [sflag:$0x3], $0x80, s3, s18, $0xb8;
	[tilespmem:$0x1E080] =	vst v63  }
0x7f: {  	_ =	swait.ge [sflag:s16], $0x3E80  }
0x80: {  	[sflag:s16] =	ssyncset.done $0x0  }
0x81: {  	s0 =	sadd.s32 $0x180, s0;
	[sflag:s16] =	ssyncadd.s32 $0xFFFFC180  }
0x82: {  	[tilespmem:s21], [sflag:$0x2] =	stream.indirect.gather [hbm4b:s1+s18], $0x80, s0, s18, $0xb8;
	[tilespmem:$0x1E080] =	vst v63  }
0x83: {  	_ =	swait.ge [sflag:s22], $0x3E80  }
0x84: {  	[sflag:s22] =	ssyncset.done $0x0  }
0x85: {  	[sflag:s22] =	ssyncadd.s32 $0xFFFFC180  }
0x86: {  	[spmem:s2] =	stream.indirect.scatter.add.f32 [tilespmem:s19], [sflag:$0x3], $0x80, s24, s18, $0xb8;
	[tilespmem:$0x1E080] =	vst v63  }
0x87: {  	_ =	swait.ge [sflag:s16], $0x3E80  }
0x88: {  	[sflag:s16] =	ssyncset.done $0x0  }
0x89: {  	[sflag:s16] =	ssyncadd.s32 $0xFFFFC180  }
0x8a: {  	_ =	swait.ge [sflag:s23], $0x3E80  }
0x8b: {  	[sflag:s23] =	ssyncset.done $0x0  }
0x8c: {  	[sflag:s23] =	ssyncadd.s32 $0xFFFFC180  }
0x8d: {  	[spmem:s2] =	stream.indirect.scatter.add.f32 [tilespmem:s21], [sflag:$0x3], $0x80, s25, s18, $0xb8;
	[tilespmem:$0x1E080] =	vst v63  }
0x8e: {  	_ =	swait.ge [sflag:s16], $0x3E80  }
0x8f: {  	[sflag:s16] =	ssyncset.done $0x0  }
0x90: {  	[sflag:s16] =	ssyncadd.s32 $0xFFFFC180  }
0x91: {  	[bflag:$0x0] =	sbarrier.arrive $0xFFFF  }
0x92: {  	[hbm:s13], [sflag:s28] =	dma.local [spmem:s29], $0x2700  }
0x93: {  	s26 =	sadd.s32 $0x1, s26;
	_ =	swait.ge [sflag:s16], $0x2700  }
0x94: {  	p1 =	sne.s32 s26, s15;
	[sflag:s16] =	ssyncset.done $0x0  }
.Ltmp2:
0x95: {  	s0 =	simm.s32 @!p0 $0x3;
	[sflag:s16] =	ssyncadd.s32 $0xFFFFD900;
	(pc) =	sbr.rel @p1 .LBB2_1-.Ltmp2, $4  }
0x96: {  	[hbm:s14], [sflag:s28] =	dma.local @!p0 [spmem:s30], $0x100  }
0x97: {  	_ =	swait.ge @!p0 [sflag:s0], $0x100  }
0x98: {  	[sflag:s0] =	ssyncset.done @!p0 $0x0  }
0x99: {  	[sflag:s0] =	ssyncadd.s32 @!p0 $0xFFFFFF00  }
0x9a: {  	_ =	sfence.sel $0x180000  }
0x9b: {  	[bflag:$0x0] =	sbarrier.arrive $0xFFFF  }
0x9c: {  	_ =	strace $0x90000047  }
0x9d: {  	s0 =	stileid.u32;
	[bflag:$0x2] =	sbarrier.arrive $0xFFFF  }
0x9e: {  	p0 =	sne.s32 s0, $0x0;
	s0 =	rddreg [dreg:$0x3]  }
0x9f: {  	s0 =	sadd.s32 @!p0 $0x100000, s0  }
0xa0: {  	[sflag:s0] =	ssyncadd.tile.s32 @!p0 $0x1;
	_ =	shalt  }
.Lfunc_end2:
_tile_overlayer_lowered:
.L_overlay_start_2:
0xa1: {  	(tag) =	ssettag $0x2  }
0xa2: {  	s0 =	rddreg [dreg:$0x0];
	s2 =	stileid.u32  }
0xa3: {  	s1 =	rddreg [dreg:$0x1];
	p0 =	sne.s32 s2, $0x0  }
0xa4: {  	s3 =	rddreg [dreg:$0x2];
	[bflag:$0x3] =	sbarrier.arrive $0xFFFF;
	s2 =	simm.s32 @!p0 $0x1C03  }
0xa5: {  	[timem:s3], [sflag:s2] =	dma.local @!p0 [hbm:s0], s1  }
0xa6: {  	s0 =	simm.s32 @!p0 $0x3  }
0xa7: {  	_ =	swait.ge @!p0 [sflag:s0], s1  }
0xa8: {  	s1 =	ssub.s32 @!p0 $0x0, s1;
	[sflag:s0] =	ssyncset.done @!p0 $0x0  }
0xa9: {  	[sflag:s0] =	ssyncadd.s32 @!p0 s1  }
0xaa: {  	[bflag:$0x3] =	sbarrier.arrive $0xFFFF  }
0xab: {  	_ =	shalt  }

</sc_bundles>
